<compile_context>
chip_gen: v7x
topology: tpu7x:2x2x1
jax: 0.10.2.dev20260603
libtpu: 0.0.44.dev20260713+nightly
codegen_flags: <defaults>
</compile_context>

<pallas_src>
import functools

import jax
import jax.numpy as jnp
from jax import lax
from jax.experimental import pallas as pl
from jax.experimental.pallas import tpu as pltpu
from jax.experimental.pallas import tpu_sc as plsc

_N = 10000
_E = 320000
_D = 128
_G = 64
_NC = 2
_NS = 16
_K = 128
_T = 80
_EP = _NC * _NS * _T * _K
_PH = 40
_NZ = _N + 16
_RPT = 624


def _sc_agg_body(z_hbm, srcb_hbm, dstb_hbm, zeros_hbm, out_hbm,
                 src_v, dst_v, rows0_v, rows1_v, agg_sh,
                 gsem0, gsem1, ssem0, ssem1):
    c = lax.axis_index("c")
    s = lax.axis_index("s")
    blk = c * _NS + s
    row0 = s * _RPT

    def _rowwise(fn):
        @pl.when(s < _NS - 1)
        def _():
            fn(row0, _RPT)

        @pl.when(s == _NS - 1)
        def _():
            fn((_NS - 1) * _RPT, _N - (_NS - 1) * _RPT)

    init_src = lambda r0, n: pltpu.sync_copy(
        z_hbm.at[pl.ds(r0, n)], agg_sh.at[pl.ds(r0, n)])
    init_zero = lambda r0, n: pltpu.sync_copy(
        zeros_hbm.at[pl.ds(r0, n)], agg_sh.at[pl.ds(r0, n)])

    @pl.when(c == 0)
    def _():
        _rowwise(init_src)

    @pl.when(c != 0)
    def _():
        _rowwise(init_zero)

    plsc.subcore_barrier()

    rows = (rows0_v, rows1_v)
    gsem = (gsem0, gsem1)
    ssem = (ssem0, ssem1)

    def _gather(t, q):
        pltpu.async_copy(z_hbm.at[src_v.at[t]], rows[q], gsem[q])

    def _gwait(q):
        pltpu.make_async_copy(z_hbm.at[src_v.at[0]], rows[q], gsem[q]).wait()

    def _scatter(t, q):
        pltpu.async_copy(rows[q], agg_sh.at[dst_v.at[t]], ssem[q], add=True)

    def _swait(q):
        pltpu.make_async_copy(rows[q], agg_sh.at[dst_v.at[0]], ssem[q]).wait()

    for ph in range(_T // _PH):
        c0 = ph * _PH
        pltpu.sync_copy(srcb_hbm.at[blk, pl.ds(c0, _PH)], src_v)
        pltpu.sync_copy(dstb_hbm.at[blk, pl.ds(c0, _PH)], dst_v)
        _gather(0, 0)
        _gwait(0)
        _scatter(0, 0)
        _gather(1, 1)

        def chunk_pair(i, carry):
            a = 2 * i + 1
            _gwait(1)
            _scatter(a, 1)
            _swait(0)
            _gather(a + 1, 0)
            _gwait(0)
            _scatter(a + 1, 0)
            _swait(1)

            @pl.when(a + 2 < _PH)
            def _():
                _gather(a + 2, 1)

            return carry

        lax.fori_loop(0, (_PH - 1) // 2, chunk_pair, 0)
        _gwait(1)
        _scatter(_PH - 1, 1)
        _swait(0)
        _swait(1)

    plsc.subcore_barrier()
    _rowwise(lambda r0, n: pltpu.sync_copy(
        agg_sh.at[pl.ds(r0, n)], out_hbm.at[c, pl.ds(r0, n)]))


@functools.lru_cache(maxsize=None)
def _make_sc_agg():
    return pl.kernel(
        _sc_agg_body,
        out_type=jax.ShapeDtypeStruct((_NC, _N, _D), jnp.float32),
        mesh=plsc.VectorSubcoreMesh(core_axis_name="c", subcore_axis_name="s"),
        scratch_types=[
            pltpu.VMEM((_PH, _K), jnp.int32),
            pltpu.VMEM((_PH, _K), jnp.int32),
            pltpu.VMEM((_K, _D), jnp.float32),
            pltpu.VMEM((_K, _D), jnp.float32),
            pltpu.VMEM_SHARED((_N, _D), jnp.float32),
            pltpu.SemaphoreType.DMA,
            pltpu.SemaphoreType.DMA,
            pltpu.SemaphoreType.DMA,
            pltpu.SemaphoreType.DMA,
        ],
    )


def _tc_compute(agg_ref, w1_ref, b1_ref, w2_ref, b2_ref, gam_ref, bet_ref,
                batch_ref):
    h = agg_ref[0] + agg_ref[1]
    h = jnp.maximum(
        jnp.dot(h, w1_ref[...], preferred_element_type=jnp.float32,
                precision=lax.Precision.HIGHEST) + b1_ref[...], 0.0)
    h = jnp.dot(h, w2_ref[...], preferred_element_type=jnp.float32,
                precision=lax.Precision.HIGHEST) + b2_ref[...]
    h = jnp.maximum(h, 0.0)
    mean = jnp.mean(h, axis=0, keepdims=True)
    cen = h - mean
    var = jnp.mean(cen * cen, axis=0, keepdims=True)
    z = cen * (gam_ref[...] * lax.rsqrt(var + 1e-5)) + bet_ref[...]
    onehot = (batch_ref[...] ==
              lax.broadcasted_iota(jnp.int32, (_G, _N), 0)).astype(jnp.float32)
    g = jnp.dot(onehot, z, preferred_element_type=jnp.float32,
                precision=lax.Precision.HIGHEST)
    return z, g


def _tc_layer1_body(agg_ref, w1_ref, b1_ref, w2_ref, b2_ref, gam_ref, bet_ref,
                    batch_ref, zp_ref, g_ref):
    z, g = _tc_compute(agg_ref, w1_ref, b1_ref, w2_ref, b2_ref, gam_ref,
                       bet_ref, batch_ref)
    zp_ref[pl.ds(0, _N), :] = z
    zp_ref[pl.ds(_N, _NZ - _N), :] = jnp.zeros((_NZ - _N, _D), jnp.float32)
    g_ref[...] = g


def _tc_layer2_body(agg_ref, w1_ref, b1_ref, w2_ref, b2_ref, gam_ref, bet_ref,
                    batch_ref, zp1_ref, g1_ref, zcat_ref, gcat_ref):
    z2, g2 = _tc_compute(agg_ref, w1_ref, b1_ref, w2_ref, b2_ref, gam_ref,
                         bet_ref, batch_ref)
    zcat_ref[:, pl.ds(0, _D)] = zp1_ref[pl.ds(0, _N), :]
    zcat_ref[:, pl.ds(_D, _D)] = z2
    gcat_ref[:, pl.ds(0, _D)] = g1_ref[...]
    gcat_ref[:, pl.ds(_D, _D)] = g2


def _tc_layer1(agg, w1, b1, w2, b2, gamma, beta, batch_row):
    return pl.pallas_call(
        _tc_layer1_body,
        out_shape=(
            jax.ShapeDtypeStruct((_NZ, _D), jnp.float32),
            jax.ShapeDtypeStruct((_G, _D), jnp.float32),
        ),
    )(agg, w1, b1, w2, b2, gamma, beta, batch_row)


def _tc_layer2(agg, w1, b1, w2, b2, gamma, beta, batch_row, zp1, g1):
    return pl.pallas_call(
        _tc_layer2_body,
        out_shape=(
            jax.ShapeDtypeStruct((_N, 2 * _D), jnp.float32),
            jax.ShapeDtypeStruct((_G, 2 * _D), jnp.float32),
        ),
    )(agg, w1, b1, w2, b2, gamma, beta, batch_row, zp1, g1)


def kernel(x, edge_index, batch, W1_0, b1_0, W2_0, b2_0, gamma_0, beta_0,
           W1_1, b1_1, W2_1, b2_1, gamma_1, beta_1):
    pad = _EP - _E
    pr = jnp.arange(pad, dtype=jnp.int32)
    srcb = jnp.concatenate(
        [edge_index[0], _N + pr % 16]).reshape(_NC * _NS, _T, _K)
    dstb = jnp.concatenate(
        [edge_index[1], pr % _N]).reshape(_NC * _NS, _T, _K)
    zeros = jnp.zeros((_N, _D), jnp.float32)
    batch_row = batch.reshape(1, _N)
    xp = jnp.concatenate([x, jnp.zeros((_NZ - _N, _D), jnp.float32)])

    agg0 = _make_sc_agg()(xp, srcb, dstb, zeros)
    zp1, g1 = _tc_layer1(agg0, W1_0, b1_0.reshape(1, _D), W2_0,
                         b2_0.reshape(1, _D), gamma_0.reshape(1, _D),
                         beta_0.reshape(1, _D), batch_row)
    agg1 = _make_sc_agg()(zp1, srcb, dstb, zeros)
    return _tc_layer2(agg1, W1_1, b1_1.reshape(1, _D), W2_1,
                      b2_1.reshape(1, _D), gamma_1.reshape(1, _D),
                      beta_1.reshape(1, _D), batch_row, zp1, g1)

# --- scband reference (transcript-rebuilt; emitter-appended) ---
"""Pipeline reference for scband-gconv-4011499455009 (READ-ONLY COPY).

The authoritative reference and input builder live on the scoring server;
editing this copy changes nothing except your own understanding.
"""

import jax, jax.numpy as jnp
import numpy as np

N = 10000
E = 320000
D = 128
H = 128
L = 2
G = 64


def _xavier(key, fan_in, fan_out):
    a = float(np.sqrt(6.0 / (fan_in + fan_out)))
    return jax.random.uniform(key, (fan_in, fan_out), dtype=jnp.float32, minval=-a, maxval=a)


def setup_inputs(seed: int = 0) -> dict:
    key = jax.random.key(seed)
    ks = jax.random.split(key, 16)
    inp = {}
    inp["x"] = jax.random.normal(ks[0], (N, D), dtype=jnp.float32)
    inp["edge_index"] = jax.random.randint(ks[1], (2, E), 0, N, dtype=jnp.int32)
    inp["batch"] = jnp.sort(jax.random.randint(ks[2], (N,), 0, G, dtype=jnp.int32))
    dims = [(D, H), (H, H)]
    for i, (din, dout) in enumerate(dims):
        inp[f"W1_{i}"] = _xavier(ks[3 + 4 * i], din, dout)
        inp[f"b1_{i}"] = jnp.zeros((dout,), dtype=jnp.float32)
        inp[f"W2_{i}"] = _xavier(ks[4 + 4 * i], dout, dout)
        inp[f"b2_{i}"] = jnp.zeros((dout,), dtype=jnp.float32)
        inp[f"gamma_{i}"] = jnp.ones((dout,), dtype=jnp.float32)
        inp[f"beta_{i}"] = jnp.zeros((dout,), dtype=jnp.float32)
    return inp


def _forward(x, params, edge_index, batch):
    src = edge_index[0]
    dst = edge_index[1]
    z = x.astype(jnp.float32)
    zs = []
    for (W1, b1, W2, b2, gamma, beta) in params:
        # GINConv with eps=0: mlp((1+eps)*x + sum_{j in N(i)} x_j)
        agg = jax.ops.segment_sum(z[src], dst, num_segments=N)
        h = z + agg
        h = jnp.maximum(h @ W1 + b1, 0.0)
        h = h @ W2 + b2
        # F.relu
        h = jnp.maximum(h, 0.0)
        # BatchNorm1d (training-mode batch statistics, affine)
        mean = jnp.mean(h, axis=0)
        var = jnp.var(h, axis=0)
        h = (h - mean) / jnp.sqrt(var + 1e-5) * gamma + beta
        z = h
        zs.append(z)
    gs = [jax.ops.segment_sum(z_, batch, num_segments=G) for z_ in zs]
    z_cat = jnp.concatenate(zs, axis=1)
    g_cat = jnp.concatenate(gs, axis=1)
    return (z_cat, g_cat)


def reference(x, edge_index, batch, W1_0, b1_0, W2_0, b2_0, gamma_0, beta_0, W1_1, b1_1, W2_1, b2_1, gamma_1, beta_1):
    params = [
        (W1_0, b1_0, W2_0, b2_0, gamma_0, beta_0),
        (W1_1, b1_1, W2_1, b2_1, gamma_1, beta_1),
    ]
    return _forward(x, params, edge_index, batch)

if __name__ == "__main__":
    import jax
    _d = setup_inputs()
    print(jax.jit(kernel)(*tuple(_d.values())))

</pallas_src>

<mosaic_0001>
#map = affine_map<(d0, d1) -> (0, 0)>
#map1 = affine_map<(d0, d1) -> (0, 0, 0)>
module attributes {stable_mosaic.version = 14 : i64} {
  func.func @_sc_agg_body(%arg0: i32, %arg1: i32, %arg2: memref<10016x128xf32, #tpu.memory_space<hbm>>, %arg3: memref<32x80x128xi32, #tpu.memory_space<hbm>>, %arg4: memref<32x80x128xi32, #tpu.memory_space<hbm>>, %arg5: memref<10000x128xf32, #tpu.memory_space<hbm>>, %arg6: memref<2x10000x128xf32, #tpu.memory_space<hbm>>, %arg7: memref<40x128xi32, #tpu.memory_space<vmem>>, %arg8: memref<40x128xi32, #tpu.memory_space<vmem>>, %arg9: memref<128x128xf32, #tpu.memory_space<vmem>>, %arg10: memref<128x128xf32, #tpu.memory_space<vmem>>, %arg11: memref<10000x128xf32, #tpu.memory_space<vmem_shared>>, %arg12: memref<!tpu.dma_semaphore, #tpu.memory_space<semaphore_mem>>, %arg13: memref<!tpu.dma_semaphore, #tpu.memory_space<semaphore_mem>>, %arg14: memref<!tpu.dma_semaphore, #tpu.memory_space<semaphore_mem>>, %arg15: memref<!tpu.dma_semaphore, #tpu.memory_space<semaphore_mem>>) attributes {dimension_semantics = [#tpu.dimension_semantics<core_parallel>, #tpu.dimension_semantics<subcore_parallel>], iteration_bounds = array<i64: 2, 16>, scalar_prefetch = 0 : i64, scratch_operands = 9 : i64, tpu.core_type = #tpu.core_type<sc_vector_subcore>, window_params = [{transform_indices = #map}, {transform_indices = #map1}, {transform_indices = #map1}, {transform_indices = #map}, {transform_indices = #map1}]} {
    %mul3A = arith.constant 16 : i32
    %mul3A_0 = arith.muli %arg0, %mul3A : i32
    %add3A = arith.addi %mul3A_0, %arg1 : i32
    %mul3A_1 = arith.constant 624 : i32
    %mul3A_2 = arith.muli %arg1, %mul3A_1 : i32
    %eq3A = arith.constant 0 : i32
    %eq3A_3 = arith.cmpi eq, %arg0, %eq3A : i32
    %convert_element_type3A = arith.extui %eq3A_3 : i1 to i32
    %cond3A = arith.constant 0 : i32
    %cond3A_4 = arith.cmpi ne, %convert_element_type3A, %cond3A : i32
    scf.if %cond3A_4 {
      %lt3A_140 = arith.constant 15 : i32
      %lt3A_141 = arith.cmpi slt, %arg1, %lt3A_140 : i32
      %convert_element_type3A_142 = arith.extui %lt3A_141 : i1 to i32
      %cond3A_143 = arith.constant 0 : i32
      %cond3A_144 = arith.cmpi ne, %convert_element_type3A_142, %cond3A_143 : i32
      scf.if %cond3A_144 {
        "tpu.region"() ({
          %run_scoped3A = tpu.sem_alloc : memref<!tpu.dma_semaphore, #tpu.memory_space<semaphore_mem>>
          %dma_start3A_150 = arith.constant 0 : i32
          %dma_start3A_151 = tpu.memref_slice %arg11[%mul3A_2, %dma_start3A_150] : memref<10000x128xf32, #tpu.memory_space<vmem_shared>> -> memref<624x128xf32, #tpu.memory_space<vmem_shared>>
          %dma_start3A_152 = arith.constant 0 : i32
          %dma_start3A_153 = tpu.memref_slice %arg2[%mul3A_2, %dma_start3A_152] : memref<10016x128xf32, #tpu.memory_space<hbm>> -> memref<624x128xf32, #tpu.memory_space<hbm>>
          tpu.enqueue_dma source(%dma_start3A_153 : memref<624x128xf32, #tpu.memory_space<hbm>>) target(%dma_start3A_151 : memref<624x128xf32, #tpu.memory_space<vmem_shared>>) target_semaphore(%run_scoped3A : memref<!tpu.dma_semaphore, #tpu.memory_space<semaphore_mem>>)
          %dma_wait3A_154 = arith.constant 0 : i32
          %dma_wait3A_155 = tpu.memref_slice %arg11[%mul3A_2, %dma_wait3A_154] : memref<10000x128xf32, #tpu.memory_space<vmem_shared>> -> memref<624x128xf32, #tpu.memory_space<vmem_shared>>
          %dma_wait3A_156 = arith.constant 0 : i32
          %dma_wait3A_157 = tpu.memref_slice %arg2[%mul3A_2, %dma_wait3A_156] : memref<10016x128xf32, #tpu.memory_space<hbm>> -> memref<624x128xf32, #tpu.memory_space<hbm>>
          tpu.wait_dma2 semaphore(%run_scoped3A : memref<!tpu.dma_semaphore, #tpu.memory_space<semaphore_mem>>) src(%dma_wait3A_157 : memref<624x128xf32, #tpu.memory_space<hbm>>) dst(%dma_wait3A_155 : memref<624x128xf32, #tpu.memory_space<vmem_shared>>)
          tpu.yield
        }) : () -> ()
      } else {
      }
      %eq3A_145 = arith.constant 15 : i32
      %eq3A_146 = arith.cmpi eq, %arg1, %eq3A_145 : i32
      %convert_element_type3A_147 = arith.extui %eq3A_146 : i1 to i32
      %cond3A_148 = arith.constant 0 : i32
      %cond3A_149 = arith.cmpi ne, %convert_element_type3A_147, %cond3A_148 : i32
      scf.if %cond3A_149 {
        "tpu.region"() ({
          %run_scoped3A = tpu.sem_alloc : memref<!tpu.dma_semaphore, #tpu.memory_space<semaphore_mem>>
          %dma_start3A_150 = arith.constant 9360 : i32
          %dma_start3A_151 = arith.constant 0 : i32
          %dma_start3A_152 = tpu.memref_slice %arg11[%dma_start3A_150, %dma_start3A_151] : memref<10000x128xf32, #tpu.memory_space<vmem_shared>> -> memref<640x128xf32, #tpu.memory_space<vmem_shared>>
          %dma_start3A_153 = arith.constant 9360 : i32
          %dma_start3A_154 = arith.constant 0 : i32
          %dma_start3A_155 = tpu.memref_slice %arg2[%dma_start3A_153, %dma_start3A_154] : memref<10016x128xf32, #tpu.memory_space<hbm>> -> memref<640x128xf32, #tpu.memory_space<hbm>>
          tpu.enqueue_dma source(%dma_start3A_155 : memref<640x128xf32, #tpu.memory_space<hbm>>) target(%dma_start3A_152 : memref<640x128xf32, #tpu.memory_space<vmem_shared>>) target_semaphore(%run_scoped3A : memref<!tpu.dma_semaphore, #tpu.memory_space<semaphore_mem>>)
          %dma_wait3A_156 = arith.constant 9360 : i32
          %dma_wait3A_157 = arith.constant 0 : i32
          %dma_wait3A_158 = tpu.memref_slice %arg11[%dma_wait3A_156, %dma_wait3A_157] : memref<10000x128xf32, #tpu.memory_space<vmem_shared>> -> memref<640x128xf32, #tpu.memory_space<vmem_shared>>
          %dma_wait3A_159 = arith.constant 9360 : i32
          %dma_wait3A_160 = arith.constant 0 : i32
          %dma_wait3A_161 = tpu.memref_slice %arg2[%dma_wait3A_159, %dma_wait3A_160] : memref<10016x128xf32, #tpu.memory_space<hbm>> -> memref<640x128xf32, #tpu.memory_space<hbm>>
          tpu.wait_dma2 semaphore(%run_scoped3A : memref<!tpu.dma_semaphore, #tpu.memory_space<semaphore_mem>>) src(%dma_wait3A_161 : memref<640x128xf32, #tpu.memory_space<hbm>>) dst(%dma_wait3A_158 : memref<640x128xf32, #tpu.memory_space<vmem_shared>>)
          tpu.yield
        }) : () -> ()
      } else {
      }
    } else {
    }
    %ne3A = arith.constant 0 : i32
    %ne3A_5 = arith.cmpi ne, %arg0, %ne3A : i32
    %convert_element_type3A_6 = arith.extui %ne3A_5 : i1 to i32
    %cond3A_7 = arith.constant 0 : i32
    %cond3A_8 = arith.cmpi ne, %convert_element_type3A_6, %cond3A_7 : i32
    scf.if %cond3A_8 {
      %lt3A_140 = arith.constant 15 : i32
      %lt3A_141 = arith.cmpi slt, %arg1, %lt3A_140 : i32
      %convert_element_type3A_142 = arith.extui %lt3A_141 : i1 to i32
      %cond3A_143 = arith.constant 0 : i32
      %cond3A_144 = arith.cmpi ne, %convert_element_type3A_142, %cond3A_143 : i32
      scf.if %cond3A_144 {
        "tpu.region"() ({
          %run_scoped3A = tpu.sem_alloc : memref<!tpu.dma_semaphore, #tpu.memory_space<semaphore_mem>>
          %dma_start3A_150 = arith.constant 0 : i32
          %dma_start3A_151 = tpu.memref_slice %arg11[%mul3A_2, %dma_start3A_150] : memref<10000x128xf32, #tpu.memory_space<vmem_shared>> -> memref<624x128xf32, #tpu.memory_space<vmem_shared>>
          %dma_start3A_152 = arith.constant 0 : i32
          %dma_start3A_153 = tpu.memref_slice %arg5[%mul3A_2, %dma_start3A_152] : memref<10000x128xf32, #tpu.memory_space<hbm>> -> memref<624x128xf32, #tpu.memory_space<hbm>>
          tpu.enqueue_dma source(%dma_start3A_153 : memref<624x128xf32, #tpu.memory_space<hbm>>) target(%dma_start3A_151 : memref<624x128xf32, #tpu.memory_space<vmem_shared>>) target_semaphore(%run_scoped3A : memref<!tpu.dma_semaphore, #tpu.memory_space<semaphore_mem>>)
          %dma_wait3A_154 = arith.constant 0 : i32
          %dma_wait3A_155 = tpu.memref_slice %arg11[%mul3A_2, %dma_wait3A_154] : memref<10000x128xf32, #tpu.memory_space<vmem_shared>> -> memref<624x128xf32, #tpu.memory_space<vmem_shared>>
          %dma_wait3A_156 = arith.constant 0 : i32
          %dma_wait3A_157 = tpu.memref_slice %arg5[%mul3A_2, %dma_wait3A_156] : memref<10000x128xf32, #tpu.memory_space<hbm>> -> memref<624x128xf32, #tpu.memory_space<hbm>>
          tpu.wait_dma2 semaphore(%run_scoped3A : memref<!tpu.dma_semaphore, #tpu.memory_space<semaphore_mem>>) src(%dma_wait3A_157 : memref<624x128xf32, #tpu.memory_space<hbm>>) dst(%dma_wait3A_155 : memref<624x128xf32, #tpu.memory_space<vmem_shared>>)
          tpu.yield
        }) : () -> ()
      } else {
      }
      %eq3A_145 = arith.constant 15 : i32
      %eq3A_146 = arith.cmpi eq, %arg1, %eq3A_145 : i32
      %convert_element_type3A_147 = arith.extui %eq3A_146 : i1 to i32
      %cond3A_148 = arith.constant 0 : i32
      %cond3A_149 = arith.cmpi ne, %convert_element_type3A_147, %cond3A_148 : i32
      scf.if %cond3A_149 {
        "tpu.region"() ({
          %run_scoped3A = tpu.sem_alloc : memref<!tpu.dma_semaphore, #tpu.memory_space<semaphore_mem>>
          %dma_start3A_150 = arith.constant 9360 : i32
          %dma_start3A_151 = arith.constant 0 : i32
          %dma_start3A_152 = tpu.memref_slice %arg11[%dma_start3A_150, %dma_start3A_151] : memref<10000x128xf32, #tpu.memory_space<vmem_shared>> -> memref<640x128xf32, #tpu.memory_space<vmem_shared>>
          %dma_start3A_153 = arith.constant 9360 : i32
          %dma_start3A_154 = arith.constant 0 : i32
          %dma_start3A_155 = tpu.memref_slice %arg5[%dma_start3A_153, %dma_start3A_154] : memref<10000x128xf32, #tpu.memory_space<hbm>> -> memref<640x128xf32, #tpu.memory_space<hbm>>
          tpu.enqueue_dma source(%dma_start3A_155 : memref<640x128xf32, #tpu.memory_space<hbm>>) target(%dma_start3A_152 : memref<640x128xf32, #tpu.memory_space<vmem_shared>>) target_semaphore(%run_scoped3A : memref<!tpu.dma_semaphore, #tpu.memory_space<semaphore_mem>>)
          %dma_wait3A_156 = arith.constant 9360 : i32
          %dma_wait3A_157 = arith.constant 0 : i32
          %dma_wait3A_158 = tpu.memref_slice %arg11[%dma_wait3A_156, %dma_wait3A_157] : memref<10000x128xf32, #tpu.memory_space<vmem_shared>> -> memref<640x128xf32, #tpu.memory_space<vmem_shared>>
          %dma_wait3A_159 = arith.constant 9360 : i32
          %dma_wait3A_160 = arith.constant 0 : i32
          %dma_wait3A_161 = tpu.memref_slice %arg5[%dma_wait3A_159, %dma_wait3A_160] : memref<10000x128xf32, #tpu.memory_space<hbm>> -> memref<640x128xf32, #tpu.memory_space<hbm>>
          tpu.wait_dma2 semaphore(%run_scoped3A : memref<!tpu.dma_semaphore, #tpu.memory_space<semaphore_mem>>) src(%dma_wait3A_161 : memref<640x128xf32, #tpu.memory_space<hbm>>) dst(%dma_wait3A_158 : memref<640x128xf32, #tpu.memory_space<vmem_shared>>)
          tpu.yield
        }) : () -> ()
      } else {
      }
    } else {
    }
    %barrier3A = arith.constant 0 : index
    tpu.barrier barrier_id(%barrier3A)
    "tpu.region"() ({
      %run_scoped3A = tpu.sem_alloc : memref<!tpu.dma_semaphore, #tpu.memory_space<semaphore_mem>>
      %dma_start3A_140 = arith.constant 0 : i32
      %dma_start3A_141 = arith.constant 0 : i32
      %dma_start3A_142 = tpu.memref_slice %arg3[%add3A, %dma_start3A_140, %dma_start3A_141] : memref<32x80x128xi32, #tpu.memory_space<hbm>> -> memref<1x40x128xi32, #tpu.memory_space<hbm>>
      %dma_start3A_143 = tpu.memref_squeeze %dma_start3A_142 : memref<1x40x128xi32, #tpu.memory_space<hbm>> -> memref<40x128xi32, #tpu.memory_space<hbm>>
      %dma_start3A_144 = arith.constant 0 : i32
      %dma_start3A_145 = arith.constant 0 : i32
      %dma_start3A_146 = tpu.memref_slice %arg3[%add3A, %dma_start3A_144, %dma_start3A_145] : memref<32x80x128xi32, #tpu.memory_space<hbm>> -> memref<1x40x128xi32, #tpu.memory_space<hbm>>
      %dma_start3A_147 = tpu.memref_squeeze %dma_start3A_146 : memref<1x40x128xi32, #tpu.memory_space<hbm>> -> memref<40x128xi32, #tpu.memory_space<hbm>>
      tpu.enqueue_dma source(%dma_start3A_147 : memref<40x128xi32, #tpu.memory_space<hbm>>) target(%arg7 : memref<40x128xi32, #tpu.memory_space<vmem>>) target_semaphore(%run_scoped3A : memref<!tpu.dma_semaphore, #tpu.memory_space<semaphore_mem>>)
      %dma_wait3A_148 = arith.constant 0 : i32
      %dma_wait3A_149 = arith.constant 0 : i32
      %dma_wait3A_150 = tpu.memref_slice %arg3[%add3A, %dma_wait3A_148, %dma_wait3A_149] : memref<32x80x128xi32, #tpu.memory_space<hbm>> -> memref<1x40x128xi32, #tpu.memory_space<hbm>>
      %dma_wait3A_151 = tpu.memref_squeeze %dma_wait3A_150 : memref<1x40x128xi32, #tpu.memory_space<hbm>> -> memref<40x128xi32, #tpu.memory_space<hbm>>
      %dma_wait3A_152 = arith.constant 0 : i32
      %dma_wait3A_153 = arith.constant 0 : i32
      %dma_wait3A_154 = tpu.memref_slice %arg3[%add3A, %dma_wait3A_152, %dma_wait3A_153] : memref<32x80x128xi32, #tpu.memory_space<hbm>> -> memref<1x40x128xi32, #tpu.memory_space<hbm>>
      %dma_wait3A_155 = tpu.memref_squeeze %dma_wait3A_154 : memref<1x40x128xi32, #tpu.memory_space<hbm>> -> memref<40x128xi32, #tpu.memory_space<hbm>>
      tpu.wait_dma2 semaphore(%run_scoped3A : memref<!tpu.dma_semaphore, #tpu.memory_space<semaphore_mem>>) src(%dma_wait3A_155 : memref<40x128xi32, #tpu.memory_space<hbm>>) dst(%arg7 : memref<40x128xi32, #tpu.memory_space<vmem>>)
      tpu.yield
    }) : () -> ()
    "tpu.region"() ({
      %run_scoped3A = tpu.sem_alloc : memref<!tpu.dma_semaphore, #tpu.memory_space<semaphore_mem>>
      %dma_start3A_140 = arith.constant 0 : i32
      %dma_start3A_141 = arith.constant 0 : i32
      %dma_start3A_142 = tpu.memref_slice %arg4[%add3A, %dma_start3A_140, %dma_start3A_141] : memref<32x80x128xi32, #tpu.memory_space<hbm>> -> memref<1x40x128xi32, #tpu.memory_space<hbm>>
      %dma_start3A_143 = tpu.memref_squeeze %dma_start3A_142 : memref<1x40x128xi32, #tpu.memory_space<hbm>> -> memref<40x128xi32, #tpu.memory_space<hbm>>
      %dma_start3A_144 = arith.constant 0 : i32
      %dma_start3A_145 = arith.constant 0 : i32
      %dma_start3A_146 = tpu.memref_slice %arg4[%add3A, %dma_start3A_144, %dma_start3A_145] : memref<32x80x128xi32, #tpu.memory_space<hbm>> -> memref<1x40x128xi32, #tpu.memory_space<hbm>>
      %dma_start3A_147 = tpu.memref_squeeze %dma_start3A_146 : memref<1x40x128xi32, #tpu.memory_space<hbm>> -> memref<40x128xi32, #tpu.memory_space<hbm>>
      tpu.enqueue_dma source(%dma_start3A_147 : memref<40x128xi32, #tpu.memory_space<hbm>>) target(%arg8 : memref<40x128xi32, #tpu.memory_space<vmem>>) target_semaphore(%run_scoped3A : memref<!tpu.dma_semaphore, #tpu.memory_space<semaphore_mem>>)
      %dma_wait3A_148 = arith.constant 0 : i32
      %dma_wait3A_149 = arith.constant 0 : i32
      %dma_wait3A_150 = tpu.memref_slice %arg4[%add3A, %dma_wait3A_148, %dma_wait3A_149] : memref<32x80x128xi32, #tpu.memory_space<hbm>> -> memref<1x40x128xi32, #tpu.memory_space<hbm>>
      %dma_wait3A_151 = tpu.memref_squeeze %dma_wait3A_150 : memref<1x40x128xi32, #tpu.memory_space<hbm>> -> memref<40x128xi32, #tpu.memory_space<hbm>>
      %dma_wait3A_152 = arith.constant 0 : i32
      %dma_wait3A_153 = arith.constant 0 : i32
      %dma_wait3A_154 = tpu.memref_slice %arg4[%add3A, %dma_wait3A_152, %dma_wait3A_153] : memref<32x80x128xi32, #tpu.memory_space<hbm>> -> memref<1x40x128xi32, #tpu.memory_space<hbm>>
      %dma_wait3A_155 = tpu.memref_squeeze %dma_wait3A_154 : memref<1x40x128xi32, #tpu.memory_space<hbm>> -> memref<40x128xi32, #tpu.memory_space<hbm>>
      tpu.wait_dma2 semaphore(%run_scoped3A : memref<!tpu.dma_semaphore, #tpu.memory_space<semaphore_mem>>) src(%dma_wait3A_155 : memref<40x128xi32, #tpu.memory_space<hbm>>) dst(%arg8 : memref<40x128xi32, #tpu.memory_space<vmem>>)
      tpu.yield
    }) : () -> ()
    %dma_start3A = arith.constant 0 : i32
    %dma_start3A_9 = arith.constant 0 : i32
    %dma_start3A_10 = tpu.memref_slice %arg7[%dma_start3A, %dma_start3A_9] : memref<40x128xi32, #tpu.memory_space<vmem>> -> memref<1x128xi32, #tpu.memory_space<vmem>>
    %dma_start3A_11 = tpu.memref_squeeze %dma_start3A_10 : memref<1x128xi32, #tpu.memory_space<vmem>> -> memref<128xi32, #tpu.memory_space<vmem>>
    %dma_start3A_12 = arith.constant 0 : i32
    %dma_start3A_13 = arith.constant 0 : i32
    %dma_start3A_14 = tpu.memref_slice %arg2[%dma_start3A_12, %dma_start3A_13] : memref<10016x128xf32, #tpu.memory_space<hbm>> -> memref<10016x128xf32, #tpu.memory_space<hbm>>
    tpu.enqueue_indirect_dma source(%dma_start3A_14 : memref<10016x128xf32, #tpu.memory_space<hbm>>) target(%arg9 : memref<128x128xf32, #tpu.memory_space<vmem>>) offsets(%dma_start3A_11 : memref<128xi32, #tpu.memory_space<vmem>>) semaphore(%arg12 : memref<!tpu.dma_semaphore, #tpu.memory_space<semaphore_mem>>)
    %dma_wait3A = arith.constant 0 : i32
    %dma_wait3A_15 = arith.constant 0 : i32
    %dma_wait3A_16 = tpu.memref_slice %arg7[%dma_wait3A, %dma_wait3A_15] : memref<40x128xi32, #tpu.memory_space<vmem>> -> memref<1x128xi32, #tpu.memory_space<vmem>>
    %dma_wait3A_17 = tpu.memref_squeeze %dma_wait3A_16 : memref<1x128xi32, #tpu.memory_space<vmem>> -> memref<128xi32, #tpu.memory_space<vmem>>
    %dma_wait3A_18 = arith.constant 0 : i32
    %dma_wait3A_19 = arith.constant 0 : i32
    %dma_wait3A_20 = tpu.memref_slice %arg2[%dma_wait3A_18, %dma_wait3A_19] : memref<10016x128xf32, #tpu.memory_space<hbm>> -> memref<10016x128xf32, #tpu.memory_space<hbm>>
    tpu.wait_indirect_dma semaphore(%arg12 : memref<!tpu.dma_semaphore, #tpu.memory_space<semaphore_mem>>) src(%dma_wait3A_20 : memref<10016x128xf32, #tpu.memory_space<hbm>>) dst(%arg9 : memref<128x128xf32, #tpu.memory_space<vmem>>)
    %dma_start3A_21 = arith.constant 0 : i32
    %dma_start3A_22 = arith.constant 0 : i32
    %dma_start3A_23 = tpu.memref_slice %arg8[%dma_start3A_21, %dma_start3A_22] : memref<40x128xi32, #tpu.memory_space<vmem>> -> memref<1x128xi32, #tpu.memory_space<vmem>>
    %dma_start3A_24 = tpu.memref_squeeze %dma_start3A_23 : memref<1x128xi32, #tpu.memory_space<vmem>> -> memref<128xi32, #tpu.memory_space<vmem>>
    %dma_start3A_25 = arith.constant 0 : i32
    %dma_start3A_26 = arith.constant 0 : i32
    %dma_start3A_27 = tpu.memref_slice %arg11[%dma_start3A_25, %dma_start3A_26] : memref<10000x128xf32, #tpu.memory_space<vmem_shared>> -> memref<10000x128xf32, #tpu.memory_space<vmem_shared>>
    tpu.enqueue_indirect_dma source(%arg9 : memref<128x128xf32, #tpu.memory_space<vmem>>) target(%dma_start3A_27 : memref<10000x128xf32, #tpu.memory_space<vmem_shared>>) offsets(%dma_start3A_24 : memref<128xi32, #tpu.memory_space<vmem>>) semaphore(%arg14 : memref<!tpu.dma_semaphore, #tpu.memory_space<semaphore_mem>>) {add = true}
    %dma_start3A_28 = arith.constant 1 : i32
    %dma_start3A_29 = arith.constant 0 : i32
    %dma_start3A_30 = tpu.memref_slice %arg7[%dma_start3A_28, %dma_start3A_29] : memref<40x128xi32, #tpu.memory_space<vmem>> -> memref<1x128xi32, #tpu.memory_space<vmem>>
    %dma_start3A_31 = tpu.memref_squeeze %dma_start3A_30 : memref<1x128xi32, #tpu.memory_space<vmem>> -> memref<128xi32, #tpu.memory_space<vmem>>
    %dma_start3A_32 = arith.constant 0 : i32
    %dma_start3A_33 = arith.constant 0 : i32
    %dma_start3A_34 = tpu.memref_slice %arg2[%dma_start3A_32, %dma_start3A_33] : memref<10016x128xf32, #tpu.memory_space<hbm>> -> memref<10016x128xf32, #tpu.memory_space<hbm>>
    tpu.enqueue_indirect_dma source(%dma_start3A_34 : memref<10016x128xf32, #tpu.memory_space<hbm>>) target(%arg10 : memref<128x128xf32, #tpu.memory_space<vmem>>) offsets(%dma_start3A_31 : memref<128xi32, #tpu.memory_space<vmem>>) semaphore(%arg13 : memref<!tpu.dma_semaphore, #tpu.memory_space<semaphore_mem>>)
    %scan3A = arith.constant 0 : i32
    %scan3A_35 = arith.constant 0 : i32
    %scan3A_36 = arith.constant 19 : i32
    %scan3A_37 = arith.addi %scan3A_35, %scan3A_36 : i32
    %scan3A_38 = arith.constant 1 : i32
    scf.for %scan3A_140 = %scan3A_35 to %scan3A_37 step %scan3A_38  : i32 {
      %mul3A_141 = arith.constant 2 : i32
      %mul3A_142 = arith.muli %mul3A_141, %scan3A_140 : i32
      %add3A_143 = arith.constant 1 : i32
      %add3A_144 = arith.addi %mul3A_142, %add3A_143 : i32
      %dma_wait3A_145 = arith.constant 0 : i32
      %dma_wait3A_146 = arith.constant 0 : i32
      %dma_wait3A_147 = tpu.memref_slice %arg7[%dma_wait3A_145, %dma_wait3A_146] : memref<40x128xi32, #tpu.memory_space<vmem>> -> memref<1x128xi32, #tpu.memory_space<vmem>>
      %dma_wait3A_148 = tpu.memref_squeeze %dma_wait3A_147 : memref<1x128xi32, #tpu.memory_space<vmem>> -> memref<128xi32, #tpu.memory_space<vmem>>
      %dma_wait3A_149 = arith.constant 0 : i32
      %dma_wait3A_150 = arith.constant 0 : i32
      %dma_wait3A_151 = tpu.memref_slice %arg2[%dma_wait3A_149, %dma_wait3A_150] : memref<10016x128xf32, #tpu.memory_space<hbm>> -> memref<10016x128xf32, #tpu.memory_space<hbm>>
      tpu.wait_indirect_dma semaphore(%arg13 : memref<!tpu.dma_semaphore, #tpu.memory_space<semaphore_mem>>) src(%dma_wait3A_151 : memref<10016x128xf32, #tpu.memory_space<hbm>>) dst(%arg10 : memref<128x128xf32, #tpu.memory_space<vmem>>)
      %dma_start3A_152 = arith.constant 0 : i32
      %dma_start3A_153 = tpu.memref_slice %arg8[%add3A_144, %dma_start3A_152] : memref<40x128xi32, #tpu.memory_space<vmem>> -> memref<1x128xi32, #tpu.memory_space<vmem>>
      %dma_start3A_154 = tpu.memref_squeeze %dma_start3A_153 : memref<1x128xi32, #tpu.memory_space<vmem>> -> memref<128xi32, #tpu.memory_space<vmem>>
      %dma_start3A_155 = arith.constant 0 : i32
      %dma_start3A_156 = arith.constant 0 : i32
      %dma_start3A_157 = tpu.memref_slice %arg11[%dma_start3A_155, %dma_start3A_156] : memref<10000x128xf32, #tpu.memory_space<vmem_shared>> -> memref<10000x128xf32, #tpu.memory_space<vmem_shared>>
      tpu.enqueue_indirect_dma source(%arg10 : memref<128x128xf32, #tpu.memory_space<vmem>>) target(%dma_start3A_157 : memref<10000x128xf32, #tpu.memory_space<vmem_shared>>) offsets(%dma_start3A_154 : memref<128xi32, #tpu.memory_space<vmem>>) semaphore(%arg15 : memref<!tpu.dma_semaphore, #tpu.memory_space<semaphore_mem>>) {add = true}
      %dma_wait3A_158 = arith.constant 0 : i32
      %dma_wait3A_159 = arith.constant 0 : i32
      %dma_wait3A_160 = tpu.memref_slice %arg8[%dma_wait3A_158, %dma_wait3A_159] : memref<40x128xi32, #tpu.memory_space<vmem>> -> memref<1x128xi32, #tpu.memory_space<vmem>>
      %dma_wait3A_161 = tpu.memref_squeeze %dma_wait3A_160 : memref<1x128xi32, #tpu.memory_space<vmem>> -> memref<128xi32, #tpu.memory_space<vmem>>
      %dma_wait3A_162 = arith.constant 0 : i32
      %dma_wait3A_163 = arith.constant 0 : i32
      %dma_wait3A_164 = tpu.memref_slice %arg11[%dma_wait3A_162, %dma_wait3A_163] : memref<10000x128xf32, #tpu.memory_space<vmem_shared>> -> memref<10000x128xf32, #tpu.memory_space<vmem_shared>>
      tpu.wait_indirect_dma semaphore(%arg14 : memref<!tpu.dma_semaphore, #tpu.memory_space<semaphore_mem>>) src(%arg9 : memref<128x128xf32, #tpu.memory_space<vmem>>) dst(%dma_wait3A_164 : memref<10000x128xf32, #tpu.memory_space<vmem_shared>>)
      %add3A_165 = arith.constant 1 : i32
      %add3A_166 = arith.addi %add3A_144, %add3A_165 : i32
      %dma_start3A_167 = arith.constant 0 : i32
      %dma_start3A_168 = tpu.memref_slice %arg7[%add3A_166, %dma_start3A_167] : memref<40x128xi32, #tpu.memory_space<vmem>> -> memref<1x128xi32, #tpu.memory_space<vmem>>
      %dma_start3A_169 = tpu.memref_squeeze %dma_start3A_168 : memref<1x128xi32, #tpu.memory_space<vmem>> -> memref<128xi32, #tpu.memory_space<vmem>>
      %dma_start3A_170 = arith.constant 0 : i32
      %dma_start3A_171 = arith.constant 0 : i32
      %dma_start3A_172 = tpu.memref_slice %arg2[%dma_start3A_170, %dma_start3A_171] : memref<10016x128xf32, #tpu.memory_space<hbm>> -> memref<10016x128xf32, #tpu.memory_space<hbm>>
      tpu.enqueue_indirect_dma source(%dma_start3A_172 : memref<10016x128xf32, #tpu.memory_space<hbm>>) target(%arg9 : memref<128x128xf32, #tpu.memory_space<vmem>>) offsets(%dma_start3A_169 : memref<128xi32, #tpu.memory_space<vmem>>) semaphore(%arg12 : memref<!tpu.dma_semaphore, #tpu.memory_space<semaphore_mem>>)
      %dma_wait3A_173 = arith.constant 0 : i32
      %dma_wait3A_174 = arith.constant 0 : i32
      %dma_wait3A_175 = tpu.memref_slice %arg7[%dma_wait3A_173, %dma_wait3A_174] : memref<40x128xi32, #tpu.memory_space<vmem>> -> memref<1x128xi32, #tpu.memory_space<vmem>>
      %dma_wait3A_176 = tpu.memref_squeeze %dma_wait3A_175 : memref<1x128xi32, #tpu.memory_space<vmem>> -> memref<128xi32, #tpu.memory_space<vmem>>
      %dma_wait3A_177 = arith.constant 0 : i32
      %dma_wait3A_178 = arith.constant 0 : i32
      %dma_wait3A_179 = tpu.memref_slice %arg2[%dma_wait3A_177, %dma_wait3A_178] : memref<10016x128xf32, #tpu.memory_space<hbm>> -> memref<10016x128xf32, #tpu.memory_space<hbm>>
      tpu.wait_indirect_dma semaphore(%arg12 : memref<!tpu.dma_semaphore, #tpu.memory_space<semaphore_mem>>) src(%dma_wait3A_179 : memref<10016x128xf32, #tpu.memory_space<hbm>>) dst(%arg9 : memref<128x128xf32, #tpu.memory_space<vmem>>)
      %add3A_180 = arith.constant 1 : i32
      %add3A_181 = arith.addi %add3A_144, %add3A_180 : i32
      %dma_start3A_182 = arith.constant 0 : i32
      %dma_start3A_183 = tpu.memref_slice %arg8[%add3A_181, %dma_start3A_182] : memref<40x128xi32, #tpu.memory_space<vmem>> -> memref<1x128xi32, #tpu.memory_space<vmem>>
      %dma_start3A_184 = tpu.memref_squeeze %dma_start3A_183 : memref<1x128xi32, #tpu.memory_space<vmem>> -> memref<128xi32, #tpu.memory_space<vmem>>
      %dma_start3A_185 = arith.constant 0 : i32
      %dma_start3A_186 = arith.constant 0 : i32
      %dma_start3A_187 = tpu.memref_slice %arg11[%dma_start3A_185, %dma_start3A_186] : memref<10000x128xf32, #tpu.memory_space<vmem_shared>> -> memref<10000x128xf32, #tpu.memory_space<vmem_shared>>
      tpu.enqueue_indirect_dma source(%arg9 : memref<128x128xf32, #tpu.memory_space<vmem>>) target(%dma_start3A_187 : memref<10000x128xf32, #tpu.memory_space<vmem_shared>>) offsets(%dma_start3A_184 : memref<128xi32, #tpu.memory_space<vmem>>) semaphore(%arg14 : memref<!tpu.dma_semaphore, #tpu.memory_space<semaphore_mem>>) {add = true}
      %dma_wait3A_188 = arith.constant 0 : i32
      %dma_wait3A_189 = arith.constant 0 : i32
      %dma_wait3A_190 = tpu.memref_slice %arg8[%dma_wait3A_188, %dma_wait3A_189] : memref<40x128xi32, #tpu.memory_space<vmem>> -> memref<1x128xi32, #tpu.memory_space<vmem>>
      %dma_wait3A_191 = tpu.memref_squeeze %dma_wait3A_190 : memref<1x128xi32, #tpu.memory_space<vmem>> -> memref<128xi32, #tpu.memory_space<vmem>>
      %dma_wait3A_192 = arith.constant 0 : i32
      %dma_wait3A_193 = arith.constant 0 : i32
      %dma_wait3A_194 = tpu.memref_slice %arg11[%dma_wait3A_192, %dma_wait3A_193] : memref<10000x128xf32, #tpu.memory_space<vmem_shared>> -> memref<10000x128xf32, #tpu.memory_space<vmem_shared>>
      tpu.wait_indirect_dma semaphore(%arg15 : memref<!tpu.dma_semaphore, #tpu.memory_space<semaphore_mem>>) src(%arg10 : memref<128x128xf32, #tpu.memory_space<vmem>>) dst(%dma_wait3A_194 : memref<10000x128xf32, #tpu.memory_space<vmem_shared>>)
      %add3A_195 = arith.constant 2 : i32
      %add3A_196 = arith.addi %add3A_144, %add3A_195 : i32
      %lt3A_197 = arith.constant 40 : i32
      %lt3A_198 = arith.cmpi slt, %add3A_196, %lt3A_197 : i32
      %convert_element_type3A_199 = arith.extui %lt3A_198 : i1 to i32
      %cond3A_200 = arith.constant 0 : i32
      %cond3A_201 = arith.cmpi ne, %convert_element_type3A_199, %cond3A_200 : i32
      scf.if %cond3A_201 {
        %add3A_202 = arith.constant 2 : i32
        %add3A_203 = arith.addi %add3A_144, %add3A_202 : i32
        %dma_start3A_204 = arith.constant 0 : i32
        %dma_start3A_205 = tpu.memref_slice %arg7[%add3A_203, %dma_start3A_204] : memref<40x128xi32, #tpu.memory_space<vmem>> -> memref<1x128xi32, #tpu.memory_space<vmem>>
        %dma_start3A_206 = tpu.memref_squeeze %dma_start3A_205 : memref<1x128xi32, #tpu.memory_space<vmem>> -> memref<128xi32, #tpu.memory_space<vmem>>
        %dma_start3A_207 = arith.constant 0 : i32
        %dma_start3A_208 = arith.constant 0 : i32
        %dma_start3A_209 = tpu.memref_slice %arg2[%dma_start3A_207, %dma_start3A_208] : memref<10016x128xf32, #tpu.memory_space<hbm>> -> memref<10016x128xf32, #tpu.memory_space<hbm>>
        tpu.enqueue_indirect_dma source(%dma_start3A_209 : memref<10016x128xf32, #tpu.memory_space<hbm>>) target(%arg10 : memref<128x128xf32, #tpu.memory_space<vmem>>) offsets(%dma_start3A_206 : memref<128xi32, #tpu.memory_space<vmem>>) semaphore(%arg13 : memref<!tpu.dma_semaphore, #tpu.memory_space<semaphore_mem>>)
      } else {
      }
    }
    %scan3A_39 = arith.constant 19 : i32
    %dma_wait3A_40 = arith.constant 0 : i32
    %dma_wait3A_41 = arith.constant 0 : i32
    %dma_wait3A_42 = tpu.memref_slice %arg7[%dma_wait3A_40, %dma_wait3A_41] : memref<40x128xi32, #tpu.memory_space<vmem>> -> memref<1x128xi32, #tpu.memory_space<vmem>>
    %dma_wait3A_43 = tpu.memref_squeeze %dma_wait3A_42 : memref<1x128xi32, #tpu.memory_space<vmem>> -> memref<128xi32, #tpu.memory_space<vmem>>
    %dma_wait3A_44 = arith.constant 0 : i32
    %dma_wait3A_45 = arith.constant 0 : i32
    %dma_wait3A_46 = tpu.memref_slice %arg2[%dma_wait3A_44, %dma_wait3A_45] : memref<10016x128xf32, #tpu.memory_space<hbm>> -> memref<10016x128xf32, #tpu.memory_space<hbm>>
    tpu.wait_indirect_dma semaphore(%arg13 : memref<!tpu.dma_semaphore, #tpu.memory_space<semaphore_mem>>) src(%dma_wait3A_46 : memref<10016x128xf32, #tpu.memory_space<hbm>>) dst(%arg10 : memref<128x128xf32, #tpu.memory_space<vmem>>)
    %dma_start3A_47 = arith.constant 39 : i32
    %dma_start3A_48 = arith.constant 0 : i32
    %dma_start3A_49 = tpu.memref_slice %arg8[%dma_start3A_47, %dma_start3A_48] : memref<40x128xi32, #tpu.memory_space<vmem>> -> memref<1x128xi32, #tpu.memory_space<vmem>>
    %dma_start3A_50 = tpu.memref_squeeze %dma_start3A_49 : memref<1x128xi32, #tpu.memory_space<vmem>> -> memref<128xi32, #tpu.memory_space<vmem>>
    %dma_start3A_51 = arith.constant 0 : i32
    %dma_start3A_52 = arith.constant 0 : i32
    %dma_start3A_53 = tpu.memref_slice %arg11[%dma_start3A_51, %dma_start3A_52] : memref<10000x128xf32, #tpu.memory_space<vmem_shared>> -> memref<10000x128xf32, #tpu.memory_space<vmem_shared>>
    tpu.enqueue_indirect_dma source(%arg10 : memref<128x128xf32, #tpu.memory_space<vmem>>) target(%dma_start3A_53 : memref<10000x128xf32, #tpu.memory_space<vmem_shared>>) offsets(%dma_start3A_50 : memref<128xi32, #tpu.memory_space<vmem>>) semaphore(%arg15 : memref<!tpu.dma_semaphore, #tpu.memory_space<semaphore_mem>>) {add = true}
    %dma_wait3A_54 = arith.constant 0 : i32
    %dma_wait3A_55 = arith.constant 0 : i32
    %dma_wait3A_56 = tpu.memref_slice %arg8[%dma_wait3A_54, %dma_wait3A_55] : memref<40x128xi32, #tpu.memory_space<vmem>> -> memref<1x128xi32, #tpu.memory_space<vmem>>
    %dma_wait3A_57 = tpu.memref_squeeze %dma_wait3A_56 : memref<1x128xi32, #tpu.memory_space<vmem>> -> memref<128xi32, #tpu.memory_space<vmem>>
    %dma_wait3A_58 = arith.constant 0 : i32
    %dma_wait3A_59 = arith.constant 0 : i32
    %dma_wait3A_60 = tpu.memref_slice %arg11[%dma_wait3A_58, %dma_wait3A_59] : memref<10000x128xf32, #tpu.memory_space<vmem_shared>> -> memref<10000x128xf32, #tpu.memory_space<vmem_shared>>
    tpu.wait_indirect_dma semaphore(%arg14 : memref<!tpu.dma_semaphore, #tpu.memory_space<semaphore_mem>>) src(%arg9 : memref<128x128xf32, #tpu.memory_space<vmem>>) dst(%dma_wait3A_60 : memref<10000x128xf32, #tpu.memory_space<vmem_shared>>)
    %dma_wait3A_61 = arith.constant 0 : i32
    %dma_wait3A_62 = arith.constant 0 : i32
    %dma_wait3A_63 = tpu.memref_slice %arg8[%dma_wait3A_61, %dma_wait3A_62] : memref<40x128xi32, #tpu.memory_space<vmem>> -> memref<1x128xi32, #tpu.memory_space<vmem>>
    %dma_wait3A_64 = tpu.memref_squeeze %dma_wait3A_63 : memref<1x128xi32, #tpu.memory_space<vmem>> -> memref<128xi32, #tpu.memory_space<vmem>>
    %dma_wait3A_65 = arith.constant 0 : i32
    %dma_wait3A_66 = arith.constant 0 : i32
    %dma_wait3A_67 = tpu.memref_slice %arg11[%dma_wait3A_65, %dma_wait3A_66] : memref<10000x128xf32, #tpu.memory_space<vmem_shared>> -> memref<10000x128xf32, #tpu.memory_space<vmem_shared>>
    tpu.wait_indirect_dma semaphore(%arg15 : memref<!tpu.dma_semaphore, #tpu.memory_space<semaphore_mem>>) src(%arg10 : memref<128x128xf32, #tpu.memory_space<vmem>>) dst(%dma_wait3A_67 : memref<10000x128xf32, #tpu.memory_space<vmem_shared>>)
    "tpu.region"() ({
      %run_scoped3A = tpu.sem_alloc : memref<!tpu.dma_semaphore, #tpu.memory_space<semaphore_mem>>
      %dma_start3A_140 = arith.constant 40 : i32
      %dma_start3A_141 = arith.constant 0 : i32
      %dma_start3A_142 = tpu.memref_slice %arg3[%add3A, %dma_start3A_140, %dma_start3A_141] : memref<32x80x128xi32, #tpu.memory_space<hbm>> -> memref<1x40x128xi32, #tpu.memory_space<hbm>>
      %dma_start3A_143 = tpu.memref_squeeze %dma_start3A_142 : memref<1x40x128xi32, #tpu.memory_space<hbm>> -> memref<40x128xi32, #tpu.memory_space<hbm>>
      %dma_start3A_144 = arith.constant 40 : i32
      %dma_start3A_145 = arith.constant 0 : i32
      %dma_start3A_146 = tpu.memref_slice %arg3[%add3A, %dma_start3A_144, %dma_start3A_145] : memref<32x80x128xi32, #tpu.memory_space<hbm>> -> memref<1x40x128xi32, #tpu.memory_space<hbm>>
      %dma_start3A_147 = tpu.memref_squeeze %dma_start3A_146 : memref<1x40x128xi32, #tpu.memory_space<hbm>> -> memref<40x128xi32, #tpu.memory_space<hbm>>
      tpu.enqueue_dma source(%dma_start3A_147 : memref<40x128xi32, #tpu.memory_space<hbm>>) target(%arg7 : memref<40x128xi32, #tpu.memory_space<vmem>>) target_semaphore(%run_scoped3A : memref<!tpu.dma_semaphore, #tpu.memory_space<semaphore_mem>>)
      %dma_wait3A_148 = arith.constant 40 : i32
      %dma_wait3A_149 = arith.constant 0 : i32
      %dma_wait3A_150 = tpu.memref_slice %arg3[%add3A, %dma_wait3A_148, %dma_wait3A_149] : memref<32x80x128xi32, #tpu.memory_space<hbm>> -> memref<1x40x128xi32, #tpu.memory_space<hbm>>
      %dma_wait3A_151 = tpu.memref_squeeze %dma_wait3A_150 : memref<1x40x128xi32, #tpu.memory_space<hbm>> -> memref<40x128xi32, #tpu.memory_space<hbm>>
      %dma_wait3A_152 = arith.constant 40 : i32
      %dma_wait3A_153 = arith.constant 0 : i32
      %dma_wait3A_154 = tpu.memref_slice %arg3[%add3A, %dma_wait3A_152, %dma_wait3A_153] : memref<32x80x128xi32, #tpu.memory_space<hbm>> -> memref<1x40x128xi32, #tpu.memory_space<hbm>>
      %dma_wait3A_155 = tpu.memref_squeeze %dma_wait3A_154 : memref<1x40x128xi32, #tpu.memory_space<hbm>> -> memref<40x128xi32, #tpu.memory_space<hbm>>
      tpu.wait_dma2 semaphore(%run_scoped3A : memref<!tpu.dma_semaphore, #tpu.memory_space<semaphore_mem>>) src(%dma_wait3A_155 : memref<40x128xi32, #tpu.memory_space<hbm>>) dst(%arg7 : memref<40x128xi32, #tpu.memory_space<vmem>>)
      tpu.yield
    }) : () -> ()
    "tpu.region"() ({
      %run_scoped3A = tpu.sem_alloc : memref<!tpu.dma_semaphore, #tpu.memory_space<semaphore_mem>>
      %dma_start3A_140 = arith.constant 40 : i32
      %dma_start3A_141 = arith.constant 0 : i32
      %dma_start3A_142 = tpu.memref_slice %arg4[%add3A, %dma_start3A_140, %dma_start3A_141] : memref<32x80x128xi32, #tpu.memory_space<hbm>> -> memref<1x40x128xi32, #tpu.memory_space<hbm>>
      %dma_start3A_143 = tpu.memref_squeeze %dma_start3A_142 : memref<1x40x128xi32, #tpu.memory_space<hbm>> -> memref<40x128xi32, #tpu.memory_space<hbm>>
      %dma_start3A_144 = arith.constant 40 : i32
      %dma_start3A_145 = arith.constant 0 : i32
      %dma_start3A_146 = tpu.memref_slice %arg4[%add3A, %dma_start3A_144, %dma_start3A_145] : memref<32x80x128xi32, #tpu.memory_space<hbm>> -> memref<1x40x128xi32, #tpu.memory_space<hbm>>
      %dma_start3A_147 = tpu.memref_squeeze %dma_start3A_146 : memref<1x40x128xi32, #tpu.memory_space<hbm>> -> memref<40x128xi32, #tpu.memory_space<hbm>>
      tpu.enqueue_dma source(%dma_start3A_147 : memref<40x128xi32, #tpu.memory_space<hbm>>) target(%arg8 : memref<40x128xi32, #tpu.memory_space<vmem>>) target_semaphore(%run_scoped3A : memref<!tpu.dma_semaphore, #tpu.memory_space<semaphore_mem>>)
      %dma_wait3A_148 = arith.constant 40 : i32
      %dma_wait3A_149 = arith.constant 0 : i32
      %dma_wait3A_150 = tpu.memref_slice %arg4[%add3A, %dma_wait3A_148, %dma_wait3A_149] : memref<32x80x128xi32, #tpu.memory_space<hbm>> -> memref<1x40x128xi32, #tpu.memory_space<hbm>>
      %dma_wait3A_151 = tpu.memref_squeeze %dma_wait3A_150 : memref<1x40x128xi32, #tpu.memory_space<hbm>> -> memref<40x128xi32, #tpu.memory_space<hbm>>
      %dma_wait3A_152 = arith.constant 40 : i32
      %dma_wait3A_153 = arith.constant 0 : i32
      %dma_wait3A_154 = tpu.memref_slice %arg4[%add3A, %dma_wait3A_152, %dma_wait3A_153] : memref<32x80x128xi32, #tpu.memory_space<hbm>> -> memref<1x40x128xi32, #tpu.memory_space<hbm>>
      %dma_wait3A_155 = tpu.memref_squeeze %dma_wait3A_154 : memref<1x40x128xi32, #tpu.memory_space<hbm>> -> memref<40x128xi32, #tpu.memory_space<hbm>>
      tpu.wait_dma2 semaphore(%run_scoped3A : memref<!tpu.dma_semaphore, #tpu.memory_space<semaphore_mem>>) src(%dma_wait3A_155 : memref<40x128xi32, #tpu.memory_space<hbm>>) dst(%arg8 : memref<40x128xi32, #tpu.memory_space<vmem>>)
      tpu.yield
    }) : () -> ()
    %dma_start3A_68 = arith.constant 0 : i32
    %dma_start3A_69 = arith.constant 0 : i32
    %dma_start3A_70 = tpu.memref_slice %arg7[%dma_start3A_68, %dma_start3A_69] : memref<40x128xi32, #tpu.memory_space<vmem>> -> memref<1x128xi32, #tpu.memory_space<vmem>>
    %dma_start3A_71 = tpu.memref_squeeze %dma_start3A_70 : memref<1x128xi32, #tpu.memory_space<vmem>> -> memref<128xi32, #tpu.memory_space<vmem>>
    %dma_start3A_72 = arith.constant 0 : i32
    %dma_start3A_73 = arith.constant 0 : i32
    %dma_start3A_74 = tpu.memref_slice %arg2[%dma_start3A_72, %dma_start3A_73] : memref<10016x128xf32, #tpu.memory_space<hbm>> -> memref<10016x128xf32, #tpu.memory_space<hbm>>
    tpu.enqueue_indirect_dma source(%dma_start3A_74 : memref<10016x128xf32, #tpu.memory_space<hbm>>) target(%arg9 : memref<128x128xf32, #tpu.memory_space<vmem>>) offsets(%dma_start3A_71 : memref<128xi32, #tpu.memory_space<vmem>>) semaphore(%arg12 : memref<!tpu.dma_semaphore, #tpu.memory_space<semaphore_mem>>)
    %dma_wait3A_75 = arith.constant 0 : i32
    %dma_wait3A_76 = arith.constant 0 : i32
    %dma_wait3A_77 = tpu.memref_slice %arg7[%dma_wait3A_75, %dma_wait3A_76] : memref<40x128xi32, #tpu.memory_space<vmem>> -> memref<1x128xi32, #tpu.memory_space<vmem>>
    %dma_wait3A_78 = tpu.memref_squeeze %dma_wait3A_77 : memref<1x128xi32, #tpu.memory_space<vmem>> -> memref<128xi32, #tpu.memory_space<vmem>>
    %dma_wait3A_79 = arith.constant 0 : i32
    %dma_wait3A_80 = arith.constant 0 : i32
    %dma_wait3A_81 = tpu.memref_slice %arg2[%dma_wait3A_79, %dma_wait3A_80] : memref<10016x128xf32, #tpu.memory_space<hbm>> -> memref<10016x128xf32, #tpu.memory_space<hbm>>
    tpu.wait_indirect_dma semaphore(%arg12 : memref<!tpu.dma_semaphore, #tpu.memory_space<semaphore_mem>>) src(%dma_wait3A_81 : memref<10016x128xf32, #tpu.memory_space<hbm>>) dst(%arg9 : memref<128x128xf32, #tpu.memory_space<vmem>>)
    %dma_start3A_82 = arith.constant 0 : i32
    %dma_start3A_83 = arith.constant 0 : i32
    %dma_start3A_84 = tpu.memref_slice %arg8[%dma_start3A_82, %dma_start3A_83] : memref<40x128xi32, #tpu.memory_space<vmem>> -> memref<1x128xi32, #tpu.memory_space<vmem>>
    %dma_start3A_85 = tpu.memref_squeeze %dma_start3A_84 : memref<1x128xi32, #tpu.memory_space<vmem>> -> memref<128xi32, #tpu.memory_space<vmem>>
    %dma_start3A_86 = arith.constant 0 : i32
    %dma_start3A_87 = arith.constant 0 : i32
    %dma_start3A_88 = tpu.memref_slice %arg11[%dma_start3A_86, %dma_start3A_87] : memref<10000x128xf32, #tpu.memory_space<vmem_shared>> -> memref<10000x128xf32, #tpu.memory_space<vmem_shared>>
    tpu.enqueue_indirect_dma source(%arg9 : memref<128x128xf32, #tpu.memory_space<vmem>>) target(%dma_start3A_88 : memref<10000x128xf32, #tpu.memory_space<vmem_shared>>) offsets(%dma_start3A_85 : memref<128xi32, #tpu.memory_space<vmem>>) semaphore(%arg14 : memref<!tpu.dma_semaphore, #tpu.memory_space<semaphore_mem>>) {add = true}
    %dma_start3A_89 = arith.constant 1 : i32
    %dma_start3A_90 = arith.constant 0 : i32
    %dma_start3A_91 = tpu.memref_slice %arg7[%dma_start3A_89, %dma_start3A_90] : memref<40x128xi32, #tpu.memory_space<vmem>> -> memref<1x128xi32, #tpu.memory_space<vmem>>
    %dma_start3A_92 = tpu.memref_squeeze %dma_start3A_91 : memref<1x128xi32, #tpu.memory_space<vmem>> -> memref<128xi32, #tpu.memory_space<vmem>>
    %dma_start3A_93 = arith.constant 0 : i32
    %dma_start3A_94 = arith.constant 0 : i32
    %dma_start3A_95 = tpu.memref_slice %arg2[%dma_start3A_93, %dma_start3A_94] : memref<10016x128xf32, #tpu.memory_space<hbm>> -> memref<10016x128xf32, #tpu.memory_space<hbm>>
    tpu.enqueue_indirect_dma source(%dma_start3A_95 : memref<10016x128xf32, #tpu.memory_space<hbm>>) target(%arg10 : memref<128x128xf32, #tpu.memory_space<vmem>>) offsets(%dma_start3A_92 : memref<128xi32, #tpu.memory_space<vmem>>) semaphore(%arg13 : memref<!tpu.dma_semaphore, #tpu.memory_space<semaphore_mem>>)
    %scan3A_96 = arith.constant 0 : i32
    %scan3A_97 = arith.constant 0 : i32
    %scan3A_98 = arith.constant 19 : i32
    %scan3A_99 = arith.addi %scan3A_97, %scan3A_98 : i32
    %scan3A_100 = arith.constant 1 : i32
    scf.for %scan3A_140 = %scan3A_97 to %scan3A_99 step %scan3A_100  : i32 {
      %mul3A_141 = arith.constant 2 : i32
      %mul3A_142 = arith.muli %mul3A_141, %scan3A_140 : i32
      %add3A_143 = arith.constant 1 : i32
      %add3A_144 = arith.addi %mul3A_142, %add3A_143 : i32
      %dma_wait3A_145 = arith.constant 0 : i32
      %dma_wait3A_146 = arith.constant 0 : i32
      %dma_wait3A_147 = tpu.memref_slice %arg7[%dma_wait3A_145, %dma_wait3A_146] : memref<40x128xi32, #tpu.memory_space<vmem>> -> memref<1x128xi32, #tpu.memory_space<vmem>>
      %dma_wait3A_148 = tpu.memref_squeeze %dma_wait3A_147 : memref<1x128xi32, #tpu.memory_space<vmem>> -> memref<128xi32, #tpu.memory_space<vmem>>
      %dma_wait3A_149 = arith.constant 0 : i32
      %dma_wait3A_150 = arith.constant 0 : i32
      %dma_wait3A_151 = tpu.memref_slice %arg2[%dma_wait3A_149, %dma_wait3A_150] : memref<10016x128xf32, #tpu.memory_space<hbm>> -> memref<10016x128xf32, #tpu.memory_space<hbm>>
      tpu.wait_indirect_dma semaphore(%arg13 : memref<!tpu.dma_semaphore, #tpu.memory_space<semaphore_mem>>) src(%dma_wait3A_151 : memref<10016x128xf32, #tpu.memory_space<hbm>>) dst(%arg10 : memref<128x128xf32, #tpu.memory_space<vmem>>)
      %dma_start3A_152 = arith.constant 0 : i32
      %dma_start3A_153 = tpu.memref_slice %arg8[%add3A_144, %dma_start3A_152] : memref<40x128xi32, #tpu.memory_space<vmem>> -> memref<1x128xi32, #tpu.memory_space<vmem>>
      %dma_start3A_154 = tpu.memref_squeeze %dma_start3A_153 : memref<1x128xi32, #tpu.memory_space<vmem>> -> memref<128xi32, #tpu.memory_space<vmem>>
      %dma_start3A_155 = arith.constant 0 : i32
      %dma_start3A_156 = arith.constant 0 : i32
      %dma_start3A_157 = tpu.memref_slice %arg11[%dma_start3A_155, %dma_start3A_156] : memref<10000x128xf32, #tpu.memory_space<vmem_shared>> -> memref<10000x128xf32, #tpu.memory_space<vmem_shared>>
      tpu.enqueue_indirect_dma source(%arg10 : memref<128x128xf32, #tpu.memory_space<vmem>>) target(%dma_start3A_157 : memref<10000x128xf32, #tpu.memory_space<vmem_shared>>) offsets(%dma_start3A_154 : memref<128xi32, #tpu.memory_space<vmem>>) semaphore(%arg15 : memref<!tpu.dma_semaphore, #tpu.memory_space<semaphore_mem>>) {add = true}
      %dma_wait3A_158 = arith.constant 0 : i32
      %dma_wait3A_159 = arith.constant 0 : i32
      %dma_wait3A_160 = tpu.memref_slice %arg8[%dma_wait3A_158, %dma_wait3A_159] : memref<40x128xi32, #tpu.memory_space<vmem>> -> memref<1x128xi32, #tpu.memory_space<vmem>>
      %dma_wait3A_161 = tpu.memref_squeeze %dma_wait3A_160 : memref<1x128xi32, #tpu.memory_space<vmem>> -> memref<128xi32, #tpu.memory_space<vmem>>
      %dma_wait3A_162 = arith.constant 0 : i32
      %dma_wait3A_163 = arith.constant 0 : i32
      %dma_wait3A_164 = tpu.memref_slice %arg11[%dma_wait3A_162, %dma_wait3A_163] : memref<10000x128xf32, #tpu.memory_space<vmem_shared>> -> memref<10000x128xf32, #tpu.memory_space<vmem_shared>>
      tpu.wait_indirect_dma semaphore(%arg14 : memref<!tpu.dma_semaphore, #tpu.memory_space<semaphore_mem>>) src(%arg9 : memref<128x128xf32, #tpu.memory_space<vmem>>) dst(%dma_wait3A_164 : memref<10000x128xf32, #tpu.memory_space<vmem_shared>>)
      %add3A_165 = arith.constant 1 : i32
      %add3A_166 = arith.addi %add3A_144, %add3A_165 : i32
      %dma_start3A_167 = arith.constant 0 : i32
      %dma_start3A_168 = tpu.memref_slice %arg7[%add3A_166, %dma_start3A_167] : memref<40x128xi32, #tpu.memory_space<vmem>> -> memref<1x128xi32, #tpu.memory_space<vmem>>
      %dma_start3A_169 = tpu.memref_squeeze %dma_start3A_168 : memref<1x128xi32, #tpu.memory_space<vmem>> -> memref<128xi32, #tpu.memory_space<vmem>>
      %dma_start3A_170 = arith.constant 0 : i32
      %dma_start3A_171 = arith.constant 0 : i32
      %dma_start3A_172 = tpu.memref_slice %arg2[%dma_start3A_170, %dma_start3A_171] : memref<10016x128xf32, #tpu.memory_space<hbm>> -> memref<10016x128xf32, #tpu.memory_space<hbm>>
      tpu.enqueue_indirect_dma source(%dma_start3A_172 : memref<10016x128xf32, #tpu.memory_space<hbm>>) target(%arg9 : memref<128x128xf32, #tpu.memory_space<vmem>>) offsets(%dma_start3A_169 : memref<128xi32, #tpu.memory_space<vmem>>) semaphore(%arg12 : memref<!tpu.dma_semaphore, #tpu.memory_space<semaphore_mem>>)
      %dma_wait3A_173 = arith.constant 0 : i32
      %dma_wait3A_174 = arith.constant 0 : i32
      %dma_wait3A_175 = tpu.memref_slice %arg7[%dma_wait3A_173, %dma_wait3A_174] : memref<40x128xi32, #tpu.memory_space<vmem>> -> memref<1x128xi32, #tpu.memory_space<vmem>>
      %dma_wait3A_176 = tpu.memref_squeeze %dma_wait3A_175 : memref<1x128xi32, #tpu.memory_space<vmem>> -> memref<128xi32, #tpu.memory_space<vmem>>
      %dma_wait3A_177 = arith.constant 0 : i32
      %dma_wait3A_178 = arith.constant 0 : i32
      %dma_wait3A_179 = tpu.memref_slice %arg2[%dma_wait3A_177, %dma_wait3A_178] : memref<10016x128xf32, #tpu.memory_space<hbm>> -> memref<10016x128xf32, #tpu.memory_space<hbm>>
      tpu.wait_indirect_dma semaphore(%arg12 : memref<!tpu.dma_semaphore, #tpu.memory_space<semaphore_mem>>) src(%dma_wait3A_179 : memref<10016x128xf32, #tpu.memory_space<hbm>>) dst(%arg9 : memref<128x128xf32, #tpu.memory_space<vmem>>)
      %add3A_180 = arith.constant 1 : i32
      %add3A_181 = arith.addi %add3A_144, %add3A_180 : i32
      %dma_start3A_182 = arith.constant 0 : i32
      %dma_start3A_183 = tpu.memref_slice %arg8[%add3A_181, %dma_start3A_182] : memref<40x128xi32, #tpu.memory_space<vmem>> -> memref<1x128xi32, #tpu.memory_space<vmem>>
      %dma_start3A_184 = tpu.memref_squeeze %dma_start3A_183 : memref<1x128xi32, #tpu.memory_space<vmem>> -> memref<128xi32, #tpu.memory_space<vmem>>
      %dma_start3A_185 = arith.constant 0 : i32
      %dma_start3A_186 = arith.constant 0 : i32
      %dma_start3A_187 = tpu.memref_slice %arg11[%dma_start3A_185, %dma_start3A_186] : memref<10000x128xf32, #tpu.memory_space<vmem_shared>> -> memref<10000x128xf32, #tpu.memory_space<vmem_shared>>
      tpu.enqueue_indirect_dma source(%arg9 : memref<128x128xf32, #tpu.memory_space<vmem>>) target(%dma_start3A_187 : memref<10000x128xf32, #tpu.memory_space<vmem_shared>>) offsets(%dma_start3A_184 : memref<128xi32, #tpu.memory_space<vmem>>) semaphore(%arg14 : memref<!tpu.dma_semaphore, #tpu.memory_space<semaphore_mem>>) {add = true}
      %dma_wait3A_188 = arith.constant 0 : i32
      %dma_wait3A_189 = arith.constant 0 : i32
      %dma_wait3A_190 = tpu.memref_slice %arg8[%dma_wait3A_188, %dma_wait3A_189] : memref<40x128xi32, #tpu.memory_space<vmem>> -> memref<1x128xi32, #tpu.memory_space<vmem>>
      %dma_wait3A_191 = tpu.memref_squeeze %dma_wait3A_190 : memref<1x128xi32, #tpu.memory_space<vmem>> -> memref<128xi32, #tpu.memory_space<vmem>>
      %dma_wait3A_192 = arith.constant 0 : i32
      %dma_wait3A_193 = arith.constant 0 : i32
      %dma_wait3A_194 = tpu.memref_slice %arg11[%dma_wait3A_192, %dma_wait3A_193] : memref<10000x128xf32, #tpu.memory_space<vmem_shared>> -> memref<10000x128xf32, #tpu.memory_space<vmem_shared>>
      tpu.wait_indirect_dma semaphore(%arg15 : memref<!tpu.dma_semaphore, #tpu.memory_space<semaphore_mem>>) src(%arg10 : memref<128x128xf32, #tpu.memory_space<vmem>>) dst(%dma_wait3A_194 : memref<10000x128xf32, #tpu.memory_space<vmem_shared>>)
      %add3A_195 = arith.constant 2 : i32
      %add3A_196 = arith.addi %add3A_144, %add3A_195 : i32
      %lt3A_197 = arith.constant 40 : i32
      %lt3A_198 = arith.cmpi slt, %add3A_196, %lt3A_197 : i32
      %convert_element_type3A_199 = arith.extui %lt3A_198 : i1 to i32
      %cond3A_200 = arith.constant 0 : i32
      %cond3A_201 = arith.cmpi ne, %convert_element_type3A_199, %cond3A_200 : i32
      scf.if %cond3A_201 {
        %add3A_202 = arith.constant 2 : i32
        %add3A_203 = arith.addi %add3A_144, %add3A_202 : i32
        %dma_start3A_204 = arith.constant 0 : i32
        %dma_start3A_205 = tpu.memref_slice %arg7[%add3A_203, %dma_start3A_204] : memref<40x128xi32, #tpu.memory_space<vmem>> -> memref<1x128xi32, #tpu.memory_space<vmem>>
        %dma_start3A_206 = tpu.memref_squeeze %dma_start3A_205 : memref<1x128xi32, #tpu.memory_space<vmem>> -> memref<128xi32, #tpu.memory_space<vmem>>
        %dma_start3A_207 = arith.constant 0 : i32
        %dma_start3A_208 = arith.constant 0 : i32
        %dma_start3A_209 = tpu.memref_slice %arg2[%dma_start3A_207, %dma_start3A_208] : memref<10016x128xf32, #tpu.memory_space<hbm>> -> memref<10016x128xf32, #tpu.memory_space<hbm>>
        tpu.enqueue_indirect_dma source(%dma_start3A_209 : memref<10016x128xf32, #tpu.memory_space<hbm>>) target(%arg10 : memref<128x128xf32, #tpu.memory_space<vmem>>) offsets(%dma_start3A_206 : memref<128xi32, #tpu.memory_space<vmem>>) semaphore(%arg13 : memref<!tpu.dma_semaphore, #tpu.memory_space<semaphore_mem>>)
      } else {
      }
    }
    %scan3A_101 = arith.constant 19 : i32
    %dma_wait3A_102 = arith.constant 0 : i32
    %dma_wait3A_103 = arith.constant 0 : i32
    %dma_wait3A_104 = tpu.memref_slice %arg7[%dma_wait3A_102, %dma_wait3A_103] : memref<40x128xi32, #tpu.memory_space<vmem>> -> memref<1x128xi32, #tpu.memory_space<vmem>>
    %dma_wait3A_105 = tpu.memref_squeeze %dma_wait3A_104 : memref<1x128xi32, #tpu.memory_space<vmem>> -> memref<128xi32, #tpu.memory_space<vmem>>
    %dma_wait3A_106 = arith.constant 0 : i32
    %dma_wait3A_107 = arith.constant 0 : i32
    %dma_wait3A_108 = tpu.memref_slice %arg2[%dma_wait3A_106, %dma_wait3A_107] : memref<10016x128xf32, #tpu.memory_space<hbm>> -> memref<10016x128xf32, #tpu.memory_space<hbm>>
    tpu.wait_indirect_dma semaphore(%arg13 : memref<!tpu.dma_semaphore, #tpu.memory_space<semaphore_mem>>) src(%dma_wait3A_108 : memref<10016x128xf32, #tpu.memory_space<hbm>>) dst(%arg10 : memref<128x128xf32, #tpu.memory_space<vmem>>)
    %dma_start3A_109 = arith.constant 39 : i32
    %dma_start3A_110 = arith.constant 0 : i32
    %dma_start3A_111 = tpu.memref_slice %arg8[%dma_start3A_109, %dma_start3A_110] : memref<40x128xi32, #tpu.memory_space<vmem>> -> memref<1x128xi32, #tpu.memory_space<vmem>>
    %dma_start3A_112 = tpu.memref_squeeze %dma_start3A_111 : memref<1x128xi32, #tpu.memory_space<vmem>> -> memref<128xi32, #tpu.memory_space<vmem>>
    %dma_start3A_113 = arith.constant 0 : i32
    %dma_start3A_114 = arith.constant 0 : i32
    %dma_start3A_115 = tpu.memref_slice %arg11[%dma_start3A_113, %dma_start3A_114] : memref<10000x128xf32, #tpu.memory_space<vmem_shared>> -> memref<10000x128xf32, #tpu.memory_space<vmem_shared>>
    tpu.enqueue_indirect_dma source(%arg10 : memref<128x128xf32, #tpu.memory_space<vmem>>) target(%dma_start3A_115 : memref<10000x128xf32, #tpu.memory_space<vmem_shared>>) offsets(%dma_start3A_112 : memref<128xi32, #tpu.memory_space<vmem>>) semaphore(%arg15 : memref<!tpu.dma_semaphore, #tpu.memory_space<semaphore_mem>>) {add = true}
    %dma_wait3A_116 = arith.constant 0 : i32
    %dma_wait3A_117 = arith.constant 0 : i32
    %dma_wait3A_118 = tpu.memref_slice %arg8[%dma_wait3A_116, %dma_wait3A_117] : memref<40x128xi32, #tpu.memory_space<vmem>> -> memref<1x128xi32, #tpu.memory_space<vmem>>
    %dma_wait3A_119 = tpu.memref_squeeze %dma_wait3A_118 : memref<1x128xi32, #tpu.memory_space<vmem>> -> memref<128xi32, #tpu.memory_space<vmem>>
    %dma_wait3A_120 = arith.constant 0 : i32
    %dma_wait3A_121 = arith.constant 0 : i32
    %dma_wait3A_122 = tpu.memref_slice %arg11[%dma_wait3A_120, %dma_wait3A_121] : memref<10000x128xf32, #tpu.memory_space<vmem_shared>> -> memref<10000x128xf32, #tpu.memory_space<vmem_shared>>
    tpu.wait_indirect_dma semaphore(%arg14 : memref<!tpu.dma_semaphore, #tpu.memory_space<semaphore_mem>>) src(%arg9 : memref<128x128xf32, #tpu.memory_space<vmem>>) dst(%dma_wait3A_122 : memref<10000x128xf32, #tpu.memory_space<vmem_shared>>)
    %dma_wait3A_123 = arith.constant 0 : i32
    %dma_wait3A_124 = arith.constant 0 : i32
    %dma_wait3A_125 = tpu.memref_slice %arg8[%dma_wait3A_123, %dma_wait3A_124] : memref<40x128xi32, #tpu.memory_space<vmem>> -> memref<1x128xi32, #tpu.memory_space<vmem>>
    %dma_wait3A_126 = tpu.memref_squeeze %dma_wait3A_125 : memref<1x128xi32, #tpu.memory_space<vmem>> -> memref<128xi32, #tpu.memory_space<vmem>>
    %dma_wait3A_127 = arith.constant 0 : i32
    %dma_wait3A_128 = arith.constant 0 : i32
    %dma_wait3A_129 = tpu.memref_slice %arg11[%dma_wait3A_127, %dma_wait3A_128] : memref<10000x128xf32, #tpu.memory_space<vmem_shared>> -> memref<10000x128xf32, #tpu.memory_space<vmem_shared>>
    tpu.wait_indirect_dma semaphore(%arg15 : memref<!tpu.dma_semaphore, #tpu.memory_space<semaphore_mem>>) src(%arg10 : memref<128x128xf32, #tpu.memory_space<vmem>>) dst(%dma_wait3A_129 : memref<10000x128xf32, #tpu.memory_space<vmem_shared>>)
    %barrier3A_130 = arith.constant 0 : index
    tpu.barrier barrier_id(%barrier3A_130)
    %lt3A = arith.constant 15 : i32
    %lt3A_131 = arith.cmpi slt, %arg1, %lt3A : i32
    %convert_element_type3A_132 = arith.extui %lt3A_131 : i1 to i32
    %cond3A_133 = arith.constant 0 : i32
    %cond3A_134 = arith.cmpi ne, %convert_element_type3A_132, %cond3A_133 : i32
    scf.if %cond3A_134 {
      "tpu.region"() ({
        %run_scoped3A = tpu.sem_alloc : memref<!tpu.dma_semaphore, #tpu.memory_space<semaphore_mem>>
        %dma_start3A_140 = arith.constant 0 : i32
        %dma_start3A_141 = tpu.memref_slice %arg6[%arg0, %mul3A_2, %dma_start3A_140] : memref<2x10000x128xf32, #tpu.memory_space<hbm>> -> memref<1x624x128xf32, #tpu.memory_space<hbm>>
        %dma_start3A_142 = tpu.memref_squeeze %dma_start3A_141 : memref<1x624x128xf32, #tpu.memory_space<hbm>> -> memref<624x128xf32, #tpu.memory_space<hbm>>
        %dma_start3A_143 = arith.constant 0 : i32
        %dma_start3A_144 = tpu.memref_slice %arg11[%mul3A_2, %dma_start3A_143] : memref<10000x128xf32, #tpu.memory_space<vmem_shared>> -> memref<624x128xf32, #tpu.memory_space<vmem_shared>>
        tpu.enqueue_dma source(%dma_start3A_144 : memref<624x128xf32, #tpu.memory_space<vmem_shared>>) target(%dma_start3A_142 : memref<624x128xf32, #tpu.memory_space<hbm>>) target_semaphore(%run_scoped3A : memref<!tpu.dma_semaphore, #tpu.memory_space<semaphore_mem>>)
        %dma_wait3A_145 = arith.constant 0 : i32
        %dma_wait3A_146 = tpu.memref_slice %arg6[%arg0, %mul3A_2, %dma_wait3A_145] : memref<2x10000x128xf32, #tpu.memory_space<hbm>> -> memref<1x624x128xf32, #tpu.memory_space<hbm>>
        %dma_wait3A_147 = tpu.memref_squeeze %dma_wait3A_146 : memref<1x624x128xf32, #tpu.memory_space<hbm>> -> memref<624x128xf32, #tpu.memory_space<hbm>>
        %dma_wait3A_148 = arith.constant 0 : i32
        %dma_wait3A_149 = tpu.memref_slice %arg11[%mul3A_2, %dma_wait3A_148] : memref<10000x128xf32, #tpu.memory_space<vmem_shared>> -> memref<624x128xf32, #tpu.memory_space<vmem_shared>>
        tpu.wait_dma2 semaphore(%run_scoped3A : memref<!tpu.dma_semaphore, #tpu.memory_space<semaphore_mem>>) src(%dma_wait3A_149 : memref<624x128xf32, #tpu.memory_space<vmem_shared>>) dst(%dma_wait3A_147 : memref<624x128xf32, #tpu.memory_space<hbm>>)
        tpu.yield
      }) : () -> ()
    } else {
    }
    %eq3A_135 = arith.constant 15 : i32
    %eq3A_136 = arith.cmpi eq, %arg1, %eq3A_135 : i32
    %convert_element_type3A_137 = arith.extui %eq3A_136 : i1 to i32
    %cond3A_138 = arith.constant 0 : i32
    %cond3A_139 = arith.cmpi ne, %convert_element_type3A_137, %cond3A_138 : i32
    scf.if %cond3A_139 {
      "tpu.region"() ({
        %run_scoped3A = tpu.sem_alloc : memref<!tpu.dma_semaphore, #tpu.memory_space<semaphore_mem>>
        %dma_start3A_140 = arith.constant 9360 : i32
        %dma_start3A_141 = arith.constant 0 : i32
        %dma_start3A_142 = tpu.memref_slice %arg6[%arg0, %dma_start3A_140, %dma_start3A_141] : memref<2x10000x128xf32, #tpu.memory_space<hbm>> -> memref<1x640x128xf32, #tpu.memory_space<hbm>>
        %dma_start3A_143 = tpu.memref_squeeze %dma_start3A_142 : memref<1x640x128xf32, #tpu.memory_space<hbm>> -> memref<640x128xf32, #tpu.memory_space<hbm>>
        %dma_start3A_144 = arith.constant 9360 : i32
        %dma_start3A_145 = arith.constant 0 : i32
        %dma_start3A_146 = tpu.memref_slice %arg11[%dma_start3A_144, %dma_start3A_145] : memref<10000x128xf32, #tpu.memory_space<vmem_shared>> -> memref<640x128xf32, #tpu.memory_space<vmem_shared>>
        tpu.enqueue_dma source(%dma_start3A_146 : memref<640x128xf32, #tpu.memory_space<vmem_shared>>) target(%dma_start3A_143 : memref<640x128xf32, #tpu.memory_space<hbm>>) target_semaphore(%run_scoped3A : memref<!tpu.dma_semaphore, #tpu.memory_space<semaphore_mem>>)
        %dma_wait3A_147 = arith.constant 9360 : i32
        %dma_wait3A_148 = arith.constant 0 : i32
        %dma_wait3A_149 = tpu.memref_slice %arg6[%arg0, %dma_wait3A_147, %dma_wait3A_148] : memref<2x10000x128xf32, #tpu.memory_space<hbm>> -> memref<1x640x128xf32, #tpu.memory_space<hbm>>
        %dma_wait3A_150 = tpu.memref_squeeze %dma_wait3A_149 : memref<1x640x128xf32, #tpu.memory_space<hbm>> -> memref<640x128xf32, #tpu.memory_space<hbm>>
        %dma_wait3A_151 = arith.constant 9360 : i32
        %dma_wait3A_152 = arith.constant 0 : i32
        %dma_wait3A_153 = tpu.memref_slice %arg11[%dma_wait3A_151, %dma_wait3A_152] : memref<10000x128xf32, #tpu.memory_space<vmem_shared>> -> memref<640x128xf32, #tpu.memory_space<vmem_shared>>
        tpu.wait_dma2 semaphore(%run_scoped3A : memref<!tpu.dma_semaphore, #tpu.memory_space<semaphore_mem>>) src(%dma_wait3A_153 : memref<640x128xf32, #tpu.memory_space<vmem_shared>>) dst(%dma_wait3A_150 : memref<640x128xf32, #tpu.memory_space<hbm>>)
        tpu.yield
      }) : () -> ()
    } else {
    }
    return
  }
}

#map = affine_map<(d0, d1) -> (0, 0)>
#map1 = affine_map<(d0, d1) -> (0, 0, 0)>
module attributes {stable_mosaic.version = 14 : i64} {
  func.func @_sc_agg_body(%arg0: i32, %arg1: i32, %arg2: memref<10016x128xf32, #tpu.memory_space<hbm>>, %arg3: memref<32x80x128xi32, #tpu.memory_space<hbm>>, %arg4: memref<32x80x128xi32, #tpu.memory_space<hbm>>, %arg5: memref<10000x128xf32, #tpu.memory_space<hbm>>, %arg6: memref<2x10000x128xf32, #tpu.memory_space<hbm>>, %arg7: memref<40x128xi32, #tpu.memory_space<vmem>>, %arg8: memref<40x128xi32, #tpu.memory_space<vmem>>, %arg9: memref<128x128xf32, #tpu.memory_space<vmem>>, %arg10: memref<128x128xf32, #tpu.memory_space<vmem>>, %arg11: memref<10000x128xf32, #tpu.memory_space<vmem_shared>>, %arg12: memref<!tpu.dma_semaphore, #tpu.memory_space<semaphore_mem>>, %arg13: memref<!tpu.dma_semaphore, #tpu.memory_space<semaphore_mem>>, %arg14: memref<!tpu.dma_semaphore, #tpu.memory_space<semaphore_mem>>, %arg15: memref<!tpu.dma_semaphore, #tpu.memory_space<semaphore_mem>>) attributes {dimension_semantics = [#tpu.dimension_semantics<core_parallel>, #tpu.dimension_semantics<subcore_parallel>], iteration_bounds = array<i64: 2, 16>, scalar_prefetch = 0 : i64, scratch_operands = 9 : i64, tpu.core_type = #tpu.core_type<sc_vector_subcore>, window_params = [{transform_indices = #map}, {transform_indices = #map1}, {transform_indices = #map1}, {transform_indices = #map}, {transform_indices = #map1}]} {
    %mul3A = arith.constant 16 : i32
    %mul3A_0 = arith.muli %arg0, %mul3A : i32
    %add3A = arith.addi %mul3A_0, %arg1 : i32
    %mul3A_1 = arith.constant 624 : i32
    %mul3A_2 = arith.muli %arg1, %mul3A_1 : i32
    %eq3A = arith.constant 0 : i32
    %eq3A_3 = arith.cmpi eq, %arg0, %eq3A : i32
    %convert_element_type3A = arith.extui %eq3A_3 : i1 to i32
    %cond3A = arith.constant 0 : i32
    %cond3A_4 = arith.cmpi ne, %convert_element_type3A, %cond3A : i32
    scf.if %cond3A_4 {
      %lt3A_140 = arith.constant 15 : i32
      %lt3A_141 = arith.cmpi slt, %arg1, %lt3A_140 : i32
      %convert_element_type3A_142 = arith.extui %lt3A_141 : i1 to i32
      %cond3A_143 = arith.constant 0 : i32
      %cond3A_144 = arith.cmpi ne, %convert_element_type3A_142, %cond3A_143 : i32
      scf.if %cond3A_144 {
        "tpu.region"() ({
          %run_scoped3A = tpu.sem_alloc : memref<!tpu.dma_semaphore, #tpu.memory_space<semaphore_mem>>
          %dma_start3A_150 = arith.constant 0 : i32
          %dma_start3A_151 = tpu.memref_slice %arg11[%mul3A_2, %dma_start3A_150] : memref<10000x128xf32, #tpu.memory_space<vmem_shared>> -> memref<624x128xf32, #tpu.memory_space<vmem_shared>>
          %dma_start3A_152 = arith.constant 0 : i32
          %dma_start3A_153 = tpu.memref_slice %arg2[%mul3A_2, %dma_start3A_152] : memref<10016x128xf32, #tpu.memory_space<hbm>> -> memref<624x128xf32, #tpu.memory_space<hbm>>
          tpu.enqueue_dma source(%dma_start3A_153 : memref<624x128xf32, #tpu.memory_space<hbm>>) target(%dma_start3A_151 : memref<624x128xf32, #tpu.memory_space<vmem_shared>>) target_semaphore(%run_scoped3A : memref<!tpu.dma_semaphore, #tpu.memory_space<semaphore_mem>>)
          %dma_wait3A_154 = arith.constant 0 : i32
          %dma_wait3A_155 = tpu.memref_slice %arg11[%mul3A_2, %dma_wait3A_154] : memref<10000x128xf32, #tpu.memory_space<vmem_shared>> -> memref<624x128xf32, #tpu.memory_space<vmem_shared>>
          %dma_wait3A_156 = arith.constant 0 : i32
          %dma_wait3A_157 = tpu.memref_slice %arg2[%mul3A_2, %dma_wait3A_156] : memref<10016x128xf32, #tpu.memory_space<hbm>> -> memref<624x128xf32, #tpu.memory_space<hbm>>
          tpu.wait_dma2 semaphore(%run_scoped3A : memref<!tpu.dma_semaphore, #tpu.memory_space<semaphore_mem>>) src(%dma_wait3A_157 : memref<624x128xf32, #tpu.memory_space<hbm>>) dst(%dma_wait3A_155 : memref<624x128xf32, #tpu.memory_space<vmem_shared>>)
          tpu.yield
        }) : () -> ()
      } else {
      }
      %eq3A_145 = arith.constant 15 : i32
      %eq3A_146 = arith.cmpi eq, %arg1, %eq3A_145 : i32
      %convert_element_type3A_147 = arith.extui %eq3A_146 : i1 to i32
      %cond3A_148 = arith.constant 0 : i32
      %cond3A_149 = arith.cmpi ne, %convert_element_type3A_147, %cond3A_148 : i32
      scf.if %cond3A_149 {
        "tpu.region"() ({
          %run_scoped3A = tpu.sem_alloc : memref<!tpu.dma_semaphore, #tpu.memory_space<semaphore_mem>>
          %dma_start3A_150 = arith.constant 9360 : i32
          %dma_start3A_151 = arith.constant 0 : i32
          %dma_start3A_152 = tpu.memref_slice %arg11[%dma_start3A_150, %dma_start3A_151] : memref<10000x128xf32, #tpu.memory_space<vmem_shared>> -> memref<640x128xf32, #tpu.memory_space<vmem_shared>>
          %dma_start3A_153 = arith.constant 9360 : i32
          %dma_start3A_154 = arith.constant 0 : i32
          %dma_start3A_155 = tpu.memref_slice %arg2[%dma_start3A_153, %dma_start3A_154] : memref<10016x128xf32, #tpu.memory_space<hbm>> -> memref<640x128xf32, #tpu.memory_space<hbm>>
          tpu.enqueue_dma source(%dma_start3A_155 : memref<640x128xf32, #tpu.memory_space<hbm>>) target(%dma_start3A_152 : memref<640x128xf32, #tpu.memory_space<vmem_shared>>) target_semaphore(%run_scoped3A : memref<!tpu.dma_semaphore, #tpu.memory_space<semaphore_mem>>)
          %dma_wait3A_156 = arith.constant 9360 : i32
          %dma_wait3A_157 = arith.constant 0 : i32
          %dma_wait3A_158 = tpu.memref_slice %arg11[%dma_wait3A_156, %dma_wait3A_157] : memref<10000x128xf32, #tpu.memory_space<vmem_shared>> -> memref<640x128xf32, #tpu.memory_space<vmem_shared>>
          %dma_wait3A_159 = arith.constant 9360 : i32
          %dma_wait3A_160 = arith.constant 0 : i32
          %dma_wait3A_161 = tpu.memref_slice %arg2[%dma_wait3A_159, %dma_wait3A_160] : memref<10016x128xf32, #tpu.memory_space<hbm>> -> memref<640x128xf32, #tpu.memory_space<hbm>>
          tpu.wait_dma2 semaphore(%run_scoped3A : memref<!tpu.dma_semaphore, #tpu.memory_space<semaphore_mem>>) src(%dma_wait3A_161 : memref<640x128xf32, #tpu.memory_space<hbm>>) dst(%dma_wait3A_158 : memref<640x128xf32, #tpu.memory_space<vmem_shared>>)
          tpu.yield
        }) : () -> ()
      } else {
      }
    } else {
    }
    %ne3A = arith.constant 0 : i32
    %ne3A_5 = arith.cmpi ne, %arg0, %ne3A : i32
    %convert_element_type3A_6 = arith.extui %ne3A_5 : i1 to i32
    %cond3A_7 = arith.constant 0 : i32
    %cond3A_8 = arith.cmpi ne, %convert_element_type3A_6, %cond3A_7 : i32
    scf.if %cond3A_8 {
      %lt3A_140 = arith.constant 15 : i32
      %lt3A_141 = arith.cmpi slt, %arg1, %lt3A_140 : i32
      %convert_element_type3A_142 = arith.extui %lt3A_141 : i1 to i32
      %cond3A_143 = arith.constant 0 : i32
      %cond3A_144 = arith.cmpi ne, %convert_element_type3A_142, %cond3A_143 : i32
      scf.if %cond3A_144 {
        "tpu.region"() ({
          %run_scoped3A = tpu.sem_alloc : memref<!tpu.dma_semaphore, #tpu.memory_space<semaphore_mem>>
          %dma_start3A_150 = arith.constant 0 : i32
          %dma_start3A_151 = tpu.memref_slice %arg11[%mul3A_2, %dma_start3A_150] : memref<10000x128xf32, #tpu.memory_space<vmem_shared>> -> memref<624x128xf32, #tpu.memory_space<vmem_shared>>
          %dma_start3A_152 = arith.constant 0 : i32
          %dma_start3A_153 = tpu.memref_slice %arg5[%mul3A_2, %dma_start3A_152] : memref<10000x128xf32, #tpu.memory_space<hbm>> -> memref<624x128xf32, #tpu.memory_space<hbm>>
          tpu.enqueue_dma source(%dma_start3A_153 : memref<624x128xf32, #tpu.memory_space<hbm>>) target(%dma_start3A_151 : memref<624x128xf32, #tpu.memory_space<vmem_shared>>) target_semaphore(%run_scoped3A : memref<!tpu.dma_semaphore, #tpu.memory_space<semaphore_mem>>)
          %dma_wait3A_154 = arith.constant 0 : i32
          %dma_wait3A_155 = tpu.memref_slice %arg11[%mul3A_2, %dma_wait3A_154] : memref<10000x128xf32, #tpu.memory_space<vmem_shared>> -> memref<624x128xf32, #tpu.memory_space<vmem_shared>>
          %dma_wait3A_156 = arith.constant 0 : i32
          %dma_wait3A_157 = tpu.memref_slice %arg5[%mul3A_2, %dma_wait3A_156] : memref<10000x128xf32, #tpu.memory_space<hbm>> -> memref<624x128xf32, #tpu.memory_space<hbm>>
          tpu.wait_dma2 semaphore(%run_scoped3A : memref<!tpu.dma_semaphore, #tpu.memory_space<semaphore_mem>>) src(%dma_wait3A_157 : memref<624x128xf32, #tpu.memory_space<hbm>>) dst(%dma_wait3A_155 : memref<624x128xf32, #tpu.memory_space<vmem_shared>>)
          tpu.yield
        }) : () -> ()
      } else {
      }
      %eq3A_145 = arith.constant 15 : i32
      %eq3A_146 = arith.cmpi eq, %arg1, %eq3A_145 : i32
      %convert_element_type3A_147 = arith.extui %eq3A_146 : i1 to i32
      %cond3A_148 = arith.constant 0 : i32
      %cond3A_149 = arith.cmpi ne, %convert_element_type3A_147, %cond3A_148 : i32
      scf.if %cond3A_149 {
        "tpu.region"() ({
          %run_scoped3A = tpu.sem_alloc : memref<!tpu.dma_semaphore, #tpu.memory_space<semaphore_mem>>
          %dma_start3A_150 = arith.constant 9360 : i32
          %dma_start3A_151 = arith.constant 0 : i32
          %dma_start3A_152 = tpu.memref_slice %arg11[%dma_start3A_150, %dma_start3A_151] : memref<10000x128xf32, #tpu.memory_space<vmem_shared>> -> memref<640x128xf32, #tpu.memory_space<vmem_shared>>
          %dma_start3A_153 = arith.constant 9360 : i32
          %dma_start3A_154 = arith.constant 0 : i32
          %dma_start3A_155 = tpu.memref_slice %arg5[%dma_start3A_153, %dma_start3A_154] : memref<10000x128xf32, #tpu.memory_space<hbm>> -> memref<640x128xf32, #tpu.memory_space<hbm>>
          tpu.enqueue_dma source(%dma_start3A_155 : memref<640x128xf32, #tpu.memory_space<hbm>>) target(%dma_start3A_152 : memref<640x128xf32, #tpu.memory_space<vmem_shared>>) target_semaphore(%run_scoped3A : memref<!tpu.dma_semaphore, #tpu.memory_space<semaphore_mem>>)
          %dma_wait3A_156 = arith.constant 9360 : i32
          %dma_wait3A_157 = arith.constant 0 : i32
          %dma_wait3A_158 = tpu.memref_slice %arg11[%dma_wait3A_156, %dma_wait3A_157] : memref<10000x128xf32, #tpu.memory_space<vmem_shared>> -> memref<640x128xf32, #tpu.memory_space<vmem_shared>>
          %dma_wait3A_159 = arith.constant 9360 : i32
          %dma_wait3A_160 = arith.constant 0 : i32
          %dma_wait3A_161 = tpu.memref_slice %arg5[%dma_wait3A_159, %dma_wait3A_160] : memref<10000x128xf32, #tpu.memory_space<hbm>> -> memref<640x128xf32, #tpu.memory_space<hbm>>
          tpu.wait_dma2 semaphore(%run_scoped3A : memref<!tpu.dma_semaphore, #tpu.memory_space<semaphore_mem>>) src(%dma_wait3A_161 : memref<640x128xf32, #tpu.memory_space<hbm>>) dst(%dma_wait3A_158 : memref<640x128xf32, #tpu.memory_space<vmem_shared>>)
          tpu.yield
        }) : () -> ()
      } else {
      }
    } else {
    }
    %barrier3A = arith.constant 0 : index
    tpu.barrier barrier_id(%barrier3A)
    "tpu.region"() ({
      %run_scoped3A = tpu.sem_alloc : memref<!tpu.dma_semaphore, #tpu.memory_space<semaphore_mem>>
      %dma_start3A_140 = arith.constant 0 : i32
      %dma_start3A_141 = arith.constant 0 : i32
      %dma_start3A_142 = tpu.memref_slice %arg3[%add3A, %dma_start3A_140, %dma_start3A_141] : memref<32x80x128xi32, #tpu.memory_space<hbm>> -> memref<1x40x128xi32, #tpu.memory_space<hbm>>
      %dma_start3A_143 = tpu.memref_squeeze %dma_start3A_142 : memref<1x40x128xi32, #tpu.memory_space<hbm>> -> memref<40x128xi32, #tpu.memory_space<hbm>>
      %dma_start3A_144 = arith.constant 0 : i32
      %dma_start3A_145 = arith.constant 0 : i32
      %dma_start3A_146 = tpu.memref_slice %arg3[%add3A, %dma_start3A_144, %dma_start3A_145] : memref<32x80x128xi32, #tpu.memory_space<hbm>> -> memref<1x40x128xi32, #tpu.memory_space<hbm>>
      %dma_start3A_147 = tpu.memref_squeeze %dma_start3A_146 : memref<1x40x128xi32, #tpu.memory_space<hbm>> -> memref<40x128xi32, #tpu.memory_space<hbm>>
      tpu.enqueue_dma source(%dma_start3A_147 : memref<40x128xi32, #tpu.memory_space<hbm>>) target(%arg7 : memref<40x128xi32, #tpu.memory_space<vmem>>) target_semaphore(%run_scoped3A : memref<!tpu.dma_semaphore, #tpu.memory_space<semaphore_mem>>)
      %dma_wait3A_148 = arith.constant 0 : i32
      %dma_wait3A_149 = arith.constant 0 : i32
      %dma_wait3A_150 = tpu.memref_slice %arg3[%add3A, %dma_wait3A_148, %dma_wait3A_149] : memref<32x80x128xi32, #tpu.memory_space<hbm>> -> memref<1x40x128xi32, #tpu.memory_space<hbm>>
      %dma_wait3A_151 = tpu.memref_squeeze %dma_wait3A_150 : memref<1x40x128xi32, #tpu.memory_space<hbm>> -> memref<40x128xi32, #tpu.memory_space<hbm>>
      %dma_wait3A_152 = arith.constant 0 : i32
      %dma_wait3A_153 = arith.constant 0 : i32
      %dma_wait3A_154 = tpu.memref_slice %arg3[%add3A, %dma_wait3A_152, %dma_wait3A_153] : memref<32x80x128xi32, #tpu.memory_space<hbm>> -> memref<1x40x128xi32, #tpu.memory_space<hbm>>
      %dma_wait3A_155 = tpu.memref_squeeze %dma_wait3A_154 : memref<1x40x128xi32, #tpu.memory_space<hbm>> -> memref<40x128xi32, #tpu.memory_space<hbm>>
      tpu.wait_dma2 semaphore(%run_scoped3A : memref<!tpu.dma_semaphore, #tpu.memory_space<semaphore_mem>>) src(%dma_wait3A_155 : memref<40x128xi32, #tpu.memory_space<hbm>>) dst(%arg7 : memref<40x128xi32, #tpu.memory_space<vmem>>)
      tpu.yield
    }) : () -> ()
    "tpu.region"() ({
      %run_scoped3A = tpu.sem_alloc : memref<!tpu.dma_semaphore, #tpu.memory_space<semaphore_mem>>
      %dma_start3A_140 = arith.constant 0 : i32
      %dma_start3A_141 = arith.constant 0 : i32
      %dma_start3A_142 = tpu.memref_slice %arg4[%add3A, %dma_start3A_140, %dma_start3A_141] : memref<32x80x128xi32, #tpu.memory_space<hbm>> -> memref<1x40x128xi32, #tpu.memory_space<hbm>>
      %dma_start3A_143 = tpu.memref_squeeze %dma_start3A_142 : memref<1x40x128xi32, #tpu.memory_space<hbm>> -> memref<40x128xi32, #tpu.memory_space<hbm>>
      %dma_start3A_144 = arith.constant 0 : i32
      %dma_start3A_145 = arith.constant 0 : i32
      %dma_start3A_146 = tpu.memref_slice %arg4[%add3A, %dma_start3A_144, %dma_start3A_145] : memref<32x80x128xi32, #tpu.memory_space<hbm>> -> memref<1x40x128xi32, #tpu.memory_space<hbm>>
      %dma_start3A_147 = tpu.memref_squeeze %dma_start3A_146 : memref<1x40x128xi32, #tpu.memory_space<hbm>> -> memref<40x128xi32, #tpu.memory_space<hbm>>
      tpu.enqueue_dma source(%dma_start3A_147 : memref<40x128xi32, #tpu.memory_space<hbm>>) target(%arg8 : memref<40x128xi32, #tpu.memory_space<vmem>>) target_semaphore(%run_scoped3A : memref<!tpu.dma_semaphore, #tpu.memory_space<semaphore_mem>>)
      %dma_wait3A_148 = arith.constant 0 : i32
      %dma_wait3A_149 = arith.constant 0 : i32
      %dma_wait3A_150 = tpu.memref_slice %arg4[%add3A, %dma_wait3A_148, %dma_wait3A_149] : memref<32x80x128xi32, #tpu.memory_space<hbm>> -> memref<1x40x128xi32, #tpu.memory_space<hbm>>
      %dma_wait3A_151 = tpu.memref_squeeze %dma_wait3A_150 : memref<1x40x128xi32, #tpu.memory_space<hbm>> -> memref<40x128xi32, #tpu.memory_space<hbm>>
      %dma_wait3A_152 = arith.constant 0 : i32
      %dma_wait3A_153 = arith.constant 0 : i32
      %dma_wait3A_154 = tpu.memref_slice %arg4[%add3A, %dma_wait3A_152, %dma_wait3A_153] : memref<32x80x128xi32, #tpu.memory_space<hbm>> -> memref<1x40x128xi32, #tpu.memory_space<hbm>>
      %dma_wait3A_155 = tpu.memref_squeeze %dma_wait3A_154 : memref<1x40x128xi32, #tpu.memory_space<hbm>> -> memref<40x128xi32, #tpu.memory_space<hbm>>
      tpu.wait_dma2 semaphore(%run_scoped3A : memref<!tpu.dma_semaphore, #tpu.memory_space<semaphore_mem>>) src(%dma_wait3A_155 : memref<40x128xi32, #tpu.memory_space<hbm>>) dst(%arg8 : memref<40x128xi32, #tpu.memory_space<vmem>>)
      tpu.yield
    }) : () -> ()
    %dma_start3A = arith.constant 0 : i32
    %dma_start3A_9 = arith.constant 0 : i32
    %dma_start3A_10 = tpu.memref_slice %arg7[%dma_start3A, %dma_start3A_9] : memref<40x128xi32, #tpu.memory_space<vmem>> -> memref<1x128xi32, #tpu.memory_space<vmem>>
    %dma_start3A_11 = tpu.memref_squeeze %dma_start3A_10 : memref<1x128xi32, #tpu.memory_space<vmem>> -> memref<128xi32, #tpu.memory_space<vmem>>
    %dma_start3A_12 = arith.constant 0 : i32
    %dma_start3A_13 = arith.constant 0 : i32
    %dma_start3A_14 = tpu.memref_slice %arg2[%dma_start3A_12, %dma_start3A_13] : memref<10016x128xf32, #tpu.memory_space<hbm>> -> memref<10016x128xf32, #tpu.memory_space<hbm>>
    tpu.enqueue_indirect_dma source(%dma_start3A_14 : memref<10016x128xf32, #tpu.memory_space<hbm>>) target(%arg9 : memref<128x128xf32, #tpu.memory_space<vmem>>) offsets(%dma_start3A_11 : memref<128xi32, #tpu.memory_space<vmem>>) semaphore(%arg12 : memref<!tpu.dma_semaphore, #tpu.memory_space<semaphore_mem>>)
    %dma_wait3A = arith.constant 0 : i32
    %dma_wait3A_15 = arith.constant 0 : i32
    %dma_wait3A_16 = tpu.memref_slice %arg7[%dma_wait3A, %dma_wait3A_15] : memref<40x128xi32, #tpu.memory_space<vmem>> -> memref<1x128xi32, #tpu.memory_space<vmem>>
    %dma_wait3A_17 = tpu.memref_squeeze %dma_wait3A_16 : memref<1x128xi32, #tpu.memory_space<vmem>> -> memref<128xi32, #tpu.memory_space<vmem>>
    %dma_wait3A_18 = arith.constant 0 : i32
    %dma_wait3A_19 = arith.constant 0 : i32
    %dma_wait3A_20 = tpu.memref_slice %arg2[%dma_wait3A_18, %dma_wait3A_19] : memref<10016x128xf32, #tpu.memory_space<hbm>> -> memref<10016x128xf32, #tpu.memory_space<hbm>>
    tpu.wait_indirect_dma semaphore(%arg12 : memref<!tpu.dma_semaphore, #tpu.memory_space<semaphore_mem>>) src(%dma_wait3A_20 : memref<10016x128xf32, #tpu.memory_space<hbm>>) dst(%arg9 : memref<128x128xf32, #tpu.memory_space<vmem>>)
    %dma_start3A_21 = arith.constant 0 : i32
    %dma_start3A_22 = arith.constant 0 : i32
    %dma_start3A_23 = tpu.memref_slice %arg8[%dma_start3A_21, %dma_start3A_22] : memref<40x128xi32, #tpu.memory_space<vmem>> -> memref<1x128xi32, #tpu.memory_space<vmem>>
    %dma_start3A_24 = tpu.memref_squeeze %dma_start3A_23 : memref<1x128xi32, #tpu.memory_space<vmem>> -> memref<128xi32, #tpu.memory_space<vmem>>
    %dma_start3A_25 = arith.constant 0 : i32
    %dma_start3A_26 = arith.constant 0 : i32
    %dma_start3A_27 = tpu.memref_slice %arg11[%dma_start3A_25, %dma_start3A_26] : memref<10000x128xf32, #tpu.memory_space<vmem_shared>> -> memref<10000x128xf32, #tpu.memory_space<vmem_shared>>
    tpu.enqueue_indirect_dma source(%arg9 : memref<128x128xf32, #tpu.memory_space<vmem>>) target(%dma_start3A_27 : memref<10000x128xf32, #tpu.memory_space<vmem_shared>>) offsets(%dma_start3A_24 : memref<128xi32, #tpu.memory_space<vmem>>) semaphore(%arg14 : memref<!tpu.dma_semaphore, #tpu.memory_space<semaphore_mem>>) {add = true}
    %dma_start3A_28 = arith.constant 1 : i32
    %dma_start3A_29 = arith.constant 0 : i32
    %dma_start3A_30 = tpu.memref_slice %arg7[%dma_start3A_28, %dma_start3A_29] : memref<40x128xi32, #tpu.memory_space<vmem>> -> memref<1x128xi32, #tpu.memory_space<vmem>>
    %dma_start3A_31 = tpu.memref_squeeze %dma_start3A_30 : memref<1x128xi32, #tpu.memory_space<vmem>> -> memref<128xi32, #tpu.memory_space<vmem>>
    %dma_start3A_32 = arith.constant 0 : i32
    %dma_start3A_33 = arith.constant 0 : i32
    %dma_start3A_34 = tpu.memref_slice %arg2[%dma_start3A_32, %dma_start3A_33] : memref<10016x128xf32, #tpu.memory_space<hbm>> -> memref<10016x128xf32, #tpu.memory_space<hbm>>
    tpu.enqueue_indirect_dma source(%dma_start3A_34 : memref<10016x128xf32, #tpu.memory_space<hbm>>) target(%arg10 : memref<128x128xf32, #tpu.memory_space<vmem>>) offsets(%dma_start3A_31 : memref<128xi32, #tpu.memory_space<vmem>>) semaphore(%arg13 : memref<!tpu.dma_semaphore, #tpu.memory_space<semaphore_mem>>)
    %scan3A = arith.constant 0 : i32
    %scan3A_35 = arith.constant 0 : i32
    %scan3A_36 = arith.constant 19 : i32
    %scan3A_37 = arith.addi %scan3A_35, %scan3A_36 : i32
    %scan3A_38 = arith.constant 1 : i32
    scf.for %scan3A_140 = %scan3A_35 to %scan3A_37 step %scan3A_38  : i32 {
      %mul3A_141 = arith.constant 2 : i32
      %mul3A_142 = arith.muli %mul3A_141, %scan3A_140 : i32
      %add3A_143 = arith.constant 1 : i32
      %add3A_144 = arith.addi %mul3A_142, %add3A_143 : i32
      %dma_wait3A_145 = arith.constant 0 : i32
      %dma_wait3A_146 = arith.constant 0 : i32
      %dma_wait3A_147 = tpu.memref_slice %arg7[%dma_wait3A_145, %dma_wait3A_146] : memref<40x128xi32, #tpu.memory_space<vmem>> -> memref<1x128xi32, #tpu.memory_space<vmem>>
      %dma_wait3A_148 = tpu.memref_squeeze %dma_wait3A_147 : memref<1x128xi32, #tpu.memory_space<vmem>> -> memref<128xi32, #tpu.memory_space<vmem>>
      %dma_wait3A_149 = arith.constant 0 : i32
      %dma_wait3A_150 = arith.constant 0 : i32
      %dma_wait3A_151 = tpu.memref_slice %arg2[%dma_wait3A_149, %dma_wait3A_150] : memref<10016x128xf32, #tpu.memory_space<hbm>> -> memref<10016x128xf32, #tpu.memory_space<hbm>>
      tpu.wait_indirect_dma semaphore(%arg13 : memref<!tpu.dma_semaphore, #tpu.memory_space<semaphore_mem>>) src(%dma_wait3A_151 : memref<10016x128xf32, #tpu.memory_space<hbm>>) dst(%arg10 : memref<128x128xf32, #tpu.memory_space<vmem>>)
      %dma_start3A_152 = arith.constant 0 : i32
      %dma_start3A_153 = tpu.memref_slice %arg8[%add3A_144, %dma_start3A_152] : memref<40x128xi32, #tpu.memory_space<vmem>> -> memref<1x128xi32, #tpu.memory_space<vmem>>
      %dma_start3A_154 = tpu.memref_squeeze %dma_start3A_153 : memref<1x128xi32, #tpu.memory_space<vmem>> -> memref<128xi32, #tpu.memory_space<vmem>>
      %dma_start3A_155 = arith.constant 0 : i32
      %dma_start3A_156 = arith.constant 0 : i32
      %dma_start3A_157 = tpu.memref_slice %arg11[%dma_start3A_155, %dma_start3A_156] : memref<10000x128xf32, #tpu.memory_space<vmem_shared>> -> memref<10000x128xf32, #tpu.memory_space<vmem_shared>>
      tpu.enqueue_indirect_dma source(%arg10 : memref<128x128xf32, #tpu.memory_space<vmem>>) target(%dma_start3A_157 : memref<10000x128xf32, #tpu.memory_space<vmem_shared>>) offsets(%dma_start3A_154 : memref<128xi32, #tpu.memory_space<vmem>>) semaphore(%arg15 : memref<!tpu.dma_semaphore, #tpu.memory_space<semaphore_mem>>) {add = true}
      %dma_wait3A_158 = arith.constant 0 : i32
      %dma_wait3A_159 = arith.constant 0 : i32
      %dma_wait3A_160 = tpu.memref_slice %arg8[%dma_wait3A_158, %dma_wait3A_159] : memref<40x128xi32, #tpu.memory_space<vmem>> -> memref<1x128xi32, #tpu.memory_space<vmem>>
      %dma_wait3A_161 = tpu.memref_squeeze %dma_wait3A_160 : memref<1x128xi32, #tpu.memory_space<vmem>> -> memref<128xi32, #tpu.memory_space<vmem>>
      %dma_wait3A_162 = arith.constant 0 : i32
      %dma_wait3A_163 = arith.constant 0 : i32
      %dma_wait3A_164 = tpu.memref_slice %arg11[%dma_wait3A_162, %dma_wait3A_163] : memref<10000x128xf32, #tpu.memory_space<vmem_shared>> -> memref<10000x128xf32, #tpu.memory_space<vmem_shared>>
      tpu.wait_indirect_dma semaphore(%arg14 : memref<!tpu.dma_semaphore, #tpu.memory_space<semaphore_mem>>) src(%arg9 : memref<128x128xf32, #tpu.memory_space<vmem>>) dst(%dma_wait3A_164 : memref<10000x128xf32, #tpu.memory_space<vmem_shared>>)
      %add3A_165 = arith.constant 1 : i32
      %add3A_166 = arith.addi %add3A_144, %add3A_165 : i32
      %dma_start3A_167 = arith.constant 0 : i32
      %dma_start3A_168 = tpu.memref_slice %arg7[%add3A_166, %dma_start3A_167] : memref<40x128xi32, #tpu.memory_space<vmem>> -> memref<1x128xi32, #tpu.memory_space<vmem>>
      %dma_start3A_169 = tpu.memref_squeeze %dma_start3A_168 : memref<1x128xi32, #tpu.memory_space<vmem>> -> memref<128xi32, #tpu.memory_space<vmem>>
      %dma_start3A_170 = arith.constant 0 : i32
      %dma_start3A_171 = arith.constant 0 : i32
      %dma_start3A_172 = tpu.memref_slice %arg2[%dma_start3A_170, %dma_start3A_171] : memref<10016x128xf32, #tpu.memory_space<hbm>> -> memref<10016x128xf32, #tpu.memory_space<hbm>>
      tpu.enqueue_indirect_dma source(%dma_start3A_172 : memref<10016x128xf32, #tpu.memory_space<hbm>>) target(%arg9 : memref<128x128xf32, #tpu.memory_space<vmem>>) offsets(%dma_start3A_169 : memref<128xi32, #tpu.memory_space<vmem>>) semaphore(%arg12 : memref<!tpu.dma_semaphore, #tpu.memory_space<semaphore_mem>>)
      %dma_wait3A_173 = arith.constant 0 : i32
      %dma_wait3A_174 = arith.constant 0 : i32
      %dma_wait3A_175 = tpu.memref_slice %arg7[%dma_wait3A_173, %dma_wait3A_174] : memref<40x128xi32, #tpu.memory_space<vmem>> -> memref<1x128xi32, #tpu.memory_space<vmem>>
      %dma_wait3A_176 = tpu.memref_squeeze %dma_wait3A_175 : memref<1x128xi32, #tpu.memory_space<vmem>> -> memref<128xi32, #tpu.memory_space<vmem>>
      %dma_wait3A_177 = arith.constant 0 : i32
      %dma_wait3A_178 = arith.constant 0 : i32
      %dma_wait3A_179 = tpu.memref_slice %arg2[%dma_wait3A_177, %dma_wait3A_178] : memref<10016x128xf32, #tpu.memory_space<hbm>> -> memref<10016x128xf32, #tpu.memory_space<hbm>>
      tpu.wait_indirect_dma semaphore(%arg12 : memref<!tpu.dma_semaphore, #tpu.memory_space<semaphore_mem>>) src(%dma_wait3A_179 : memref<10016x128xf32, #tpu.memory_space<hbm>>) dst(%arg9 : memref<128x128xf32, #tpu.memory_space<vmem>>)
      %add3A_180 = arith.constant 1 : i32
      %add3A_181 = arith.addi %add3A_144, %add3A_180 : i32
      %dma_start3A_182 = arith.constant 0 : i32
      %dma_start3A_183 = tpu.memref_slice %arg8[%add3A_181, %dma_start3A_182] : memref<40x128xi32, #tpu.memory_space<vmem>> -> memref<1x128xi32, #tpu.memory_space<vmem>>
      %dma_start3A_184 = tpu.memref_squeeze %dma_start3A_183 : memref<1x128xi32, #tpu.memory_space<vmem>> -> memref<128xi32, #tpu.memory_space<vmem>>
      %dma_start3A_185 = arith.constant 0 : i32
      %dma_start3A_186 = arith.constant 0 : i32
      %dma_start3A_187 = tpu.memref_slice %arg11[%dma_start3A_185, %dma_start3A_186] : memref<10000x128xf32, #tpu.memory_space<vmem_shared>> -> memref<10000x128xf32, #tpu.memory_space<vmem_shared>>
      tpu.enqueue_indirect_dma source(%arg9 : memref<128x128xf32, #tpu.memory_space<vmem>>) target(%dma_start3A_187 : memref<10000x128xf32, #tpu.memory_space<vmem_shared>>) offsets(%dma_start3A_184 : memref<128xi32, #tpu.memory_space<vmem>>) semaphore(%arg14 : memref<!tpu.dma_semaphore, #tpu.memory_space<semaphore_mem>>) {add = true}
      %dma_wait3A_188 = arith.constant 0 : i32
      %dma_wait3A_189 = arith.constant 0 : i32
      %dma_wait3A_190 = tpu.memref_slice %arg8[%dma_wait3A_188, %dma_wait3A_189] : memref<40x128xi32, #tpu.memory_space<vmem>> -> memref<1x128xi32, #tpu.memory_space<vmem>>
      %dma_wait3A_191 = tpu.memref_squeeze %dma_wait3A_190 : memref<1x128xi32, #tpu.memory_space<vmem>> -> memref<128xi32, #tpu.memory_space<vmem>>
      %dma_wait3A_192 = arith.constant 0 : i32
      %dma_wait3A_193 = arith.constant 0 : i32
      %dma_wait3A_194 = tpu.memref_slice %arg11[%dma_wait3A_192, %dma_wait3A_193] : memref<10000x128xf32, #tpu.memory_space<vmem_shared>> -> memref<10000x128xf32, #tpu.memory_space<vmem_shared>>
      tpu.wait_indirect_dma semaphore(%arg15 : memref<!tpu.dma_semaphore, #tpu.memory_space<semaphore_mem>>) src(%arg10 : memref<128x128xf32, #tpu.memory_space<vmem>>) dst(%dma_wait3A_194 : memref<10000x128xf32, #tpu.memory_space<vmem_shared>>)
      %add3A_195 = arith.constant 2 : i32
      %add3A_196 = arith.addi %add3A_144, %add3A_195 : i32
      %lt3A_197 = arith.constant 40 : i32
      %lt3A_198 = arith.cmpi slt, %add3A_196, %lt3A_197 : i32
      %convert_element_type3A_199 = arith.extui %lt3A_198 : i1 to i32
      %cond3A_200 = arith.constant 0 : i32
      %cond3A_201 = arith.cmpi ne, %convert_element_type3A_199, %cond3A_200 : i32
      scf.if %cond3A_201 {
        %add3A_202 = arith.constant 2 : i32
        %add3A_203 = arith.addi %add3A_144, %add3A_202 : i32
        %dma_start3A_204 = arith.constant 0 : i32
        %dma_start3A_205 = tpu.memref_slice %arg7[%add3A_203, %dma_start3A_204] : memref<40x128xi32, #tpu.memory_space<vmem>> -> memref<1x128xi32, #tpu.memory_space<vmem>>
        %dma_start3A_206 = tpu.memref_squeeze %dma_start3A_205 : memref<1x128xi32, #tpu.memory_space<vmem>> -> memref<128xi32, #tpu.memory_space<vmem>>
        %dma_start3A_207 = arith.constant 0 : i32
        %dma_start3A_208 = arith.constant 0 : i32
        %dma_start3A_209 = tpu.memref_slice %arg2[%dma_start3A_207, %dma_start3A_208] : memref<10016x128xf32, #tpu.memory_space<hbm>> -> memref<10016x128xf32, #tpu.memory_space<hbm>>
        tpu.enqueue_indirect_dma source(%dma_start3A_209 : memref<10016x128xf32, #tpu.memory_space<hbm>>) target(%arg10 : memref<128x128xf32, #tpu.memory_space<vmem>>) offsets(%dma_start3A_206 : memref<128xi32, #tpu.memory_space<vmem>>) semaphore(%arg13 : memref<!tpu.dma_semaphore, #tpu.memory_space<semaphore_mem>>)
      } else {
      }
    }
    %scan3A_39 = arith.constant 19 : i32
    %dma_wait3A_40 = arith.constant 0 : i32
    %dma_wait3A_41 = arith.constant 0 : i32
    %dma_wait3A_42 = tpu.memref_slice %arg7[%dma_wait3A_40, %dma_wait3A_41] : memref<40x128xi32, #tpu.memory_space<vmem>> -> memref<1x128xi32, #tpu.memory_space<vmem>>
    %dma_wait3A_43 = tpu.memref_squeeze %dma_wait3A_42 : memref<1x128xi32, #tpu.memory_space<vmem>> -> memref<128xi32, #tpu.memory_space<vmem>>
    %dma_wait3A_44 = arith.constant 0 : i32
    %dma_wait3A_45 = arith.constant 0 : i32
    %dma_wait3A_46 = tpu.memref_slice %arg2[%dma_wait3A_44, %dma_wait3A_45] : memref<10016x128xf32, #tpu.memory_space<hbm>> -> memref<10016x128xf32, #tpu.memory_space<hbm>>
    tpu.wait_indirect_dma semaphore(%arg13 : memref<!tpu.dma_semaphore, #tpu.memory_space<semaphore_mem>>) src(%dma_wait3A_46 : memref<10016x128xf32, #tpu.memory_space<hbm>>) dst(%arg10 : memref<128x128xf32, #tpu.memory_space<vmem>>)
    %dma_start3A_47 = arith.constant 39 : i32
    %dma_start3A_48 = arith.constant 0 : i32
    %dma_start3A_49 = tpu.memref_slice %arg8[%dma_start3A_47, %dma_start3A_48] : memref<40x128xi32, #tpu.memory_space<vmem>> -> memref<1x128xi32, #tpu.memory_space<vmem>>
    %dma_start3A_50 = tpu.memref_squeeze %dma_start3A_49 : memref<1x128xi32, #tpu.memory_space<vmem>> -> memref<128xi32, #tpu.memory_space<vmem>>
    %dma_start3A_51 = arith.constant 0 : i32
    %dma_start3A_52 = arith.constant 0 : i32
    %dma_start3A_53 = tpu.memref_slice %arg11[%dma_start3A_51, %dma_start3A_52] : memref<10000x128xf32, #tpu.memory_space<vmem_shared>> -> memref<10000x128xf32, #tpu.memory_space<vmem_shared>>
    tpu.enqueue_indirect_dma source(%arg10 : memref<128x128xf32, #tpu.memory_space<vmem>>) target(%dma_start3A_53 : memref<10000x128xf32, #tpu.memory_space<vmem_shared>>) offsets(%dma_start3A_50 : memref<128xi32, #tpu.memory_space<vmem>>) semaphore(%arg15 : memref<!tpu.dma_semaphore, #tpu.memory_space<semaphore_mem>>) {add = true}
    %dma_wait3A_54 = arith.constant 0 : i32
    %dma_wait3A_55 = arith.constant 0 : i32
    %dma_wait3A_56 = tpu.memref_slice %arg8[%dma_wait3A_54, %dma_wait3A_55] : memref<40x128xi32, #tpu.memory_space<vmem>> -> memref<1x128xi32, #tpu.memory_space<vmem>>
    %dma_wait3A_57 = tpu.memref_squeeze %dma_wait3A_56 : memref<1x128xi32, #tpu.memory_space<vmem>> -> memref<128xi32, #tpu.memory_space<vmem>>
    %dma_wait3A_58 = arith.constant 0 : i32
    %dma_wait3A_59 = arith.constant 0 : i32
    %dma_wait3A_60 = tpu.memref_slice %arg11[%dma_wait3A_58, %dma_wait3A_59] : memref<10000x128xf32, #tpu.memory_space<vmem_shared>> -> memref<10000x128xf32, #tpu.memory_space<vmem_shared>>
    tpu.wait_indirect_dma semaphore(%arg14 : memref<!tpu.dma_semaphore, #tpu.memory_space<semaphore_mem>>) src(%arg9 : memref<128x128xf32, #tpu.memory_space<vmem>>) dst(%dma_wait3A_60 : memref<10000x128xf32, #tpu.memory_space<vmem_shared>>)
    %dma_wait3A_61 = arith.constant 0 : i32
    %dma_wait3A_62 = arith.constant 0 : i32
    %dma_wait3A_63 = tpu.memref_slice %arg8[%dma_wait3A_61, %dma_wait3A_62] : memref<40x128xi32, #tpu.memory_space<vmem>> -> memref<1x128xi32, #tpu.memory_space<vmem>>
    %dma_wait3A_64 = tpu.memref_squeeze %dma_wait3A_63 : memref<1x128xi32, #tpu.memory_space<vmem>> -> memref<128xi32, #tpu.memory_space<vmem>>
    %dma_wait3A_65 = arith.constant 0 : i32
    %dma_wait3A_66 = arith.constant 0 : i32
    %dma_wait3A_67 = tpu.memref_slice %arg11[%dma_wait3A_65, %dma_wait3A_66] : memref<10000x128xf32, #tpu.memory_space<vmem_shared>> -> memref<10000x128xf32, #tpu.memory_space<vmem_shared>>
    tpu.wait_indirect_dma semaphore(%arg15 : memref<!tpu.dma_semaphore, #tpu.memory_space<semaphore_mem>>) src(%arg10 : memref<128x128xf32, #tpu.memory_space<vmem>>) dst(%dma_wait3A_67 : memref<10000x128xf32, #tpu.memory_space<vmem_shared>>)
    "tpu.region"() ({
      %run_scoped3A = tpu.sem_alloc : memref<!tpu.dma_semaphore, #tpu.memory_space<semaphore_mem>>
      %dma_start3A_140 = arith.constant 40 : i32
      %dma_start3A_141 = arith.constant 0 : i32
      %dma_start3A_142 = tpu.memref_slice %arg3[%add3A, %dma_start3A_140, %dma_start3A_141] : memref<32x80x128xi32, #tpu.memory_space<hbm>> -> memref<1x40x128xi32, #tpu.memory_space<hbm>>
      %dma_start3A_143 = tpu.memref_squeeze %dma_start3A_142 : memref<1x40x128xi32, #tpu.memory_space<hbm>> -> memref<40x128xi32, #tpu.memory_space<hbm>>
      %dma_start3A_144 = arith.constant 40 : i32
      %dma_start3A_145 = arith.constant 0 : i32
      %dma_start3A_146 = tpu.memref_slice %arg3[%add3A, %dma_start3A_144, %dma_start3A_145] : memref<32x80x128xi32, #tpu.memory_space<hbm>> -> memref<1x40x128xi32, #tpu.memory_space<hbm>>
      %dma_start3A_147 = tpu.memref_squeeze %dma_start3A_146 : memref<1x40x128xi32, #tpu.memory_space<hbm>> -> memref<40x128xi32, #tpu.memory_space<hbm>>
      tpu.enqueue_dma source(%dma_start3A_147 : memref<40x128xi32, #tpu.memory_space<hbm>>) target(%arg7 : memref<40x128xi32, #tpu.memory_space<vmem>>) target_semaphore(%run_scoped3A : memref<!tpu.dma_semaphore, #tpu.memory_space<semaphore_mem>>)
      %dma_wait3A_148 = arith.constant 40 : i32
      %dma_wait3A_149 = arith.constant 0 : i32
      %dma_wait3A_150 = tpu.memref_slice %arg3[%add3A, %dma_wait3A_148, %dma_wait3A_149] : memref<32x80x128xi32, #tpu.memory_space<hbm>> -> memref<1x40x128xi32, #tpu.memory_space<hbm>>
      %dma_wait3A_151 = tpu.memref_squeeze %dma_wait3A_150 : memref<1x40x128xi32, #tpu.memory_space<hbm>> -> memref<40x128xi32, #tpu.memory_space<hbm>>
      %dma_wait3A_152 = arith.constant 40 : i32
      %dma_wait3A_153 = arith.constant 0 : i32
      %dma_wait3A_154 = tpu.memref_slice %arg3[%add3A, %dma_wait3A_152, %dma_wait3A_153] : memref<32x80x128xi32, #tpu.memory_space<hbm>> -> memref<1x40x128xi32, #tpu.memory_space<hbm>>
      %dma_wait3A_155 = tpu.memref_squeeze %dma_wait3A_154 : memref<1x40x128xi32, #tpu.memory_space<hbm>> -> memref<40x128xi32, #tpu.memory_space<hbm>>
      tpu.wait_dma2 semaphore(%run_scoped3A : memref<!tpu.dma_semaphore, #tpu.memory_space<semaphore_mem>>) src(%dma_wait3A_155 : memref<40x128xi32, #tpu.memory_space<hbm>>) dst(%arg7 : memref<40x128xi32, #tpu.memory_space<vmem>>)
      tpu.yield
    }) : () -> ()
    "tpu.region"() ({
      %run_scoped3A = tpu.sem_alloc : memref<!tpu.dma_semaphore, #tpu.memory_space<semaphore_mem>>
      %dma_start3A_140 = arith.constant 40 : i32
      %dma_start3A_141 = arith.constant 0 : i32
      %dma_start3A_142 = tpu.memref_slice %arg4[%add3A, %dma_start3A_140, %dma_start3A_141] : memref<32x80x128xi32, #tpu.memory_space<hbm>> -> memref<1x40x128xi32, #tpu.memory_space<hbm>>
      %dma_start3A_143 = tpu.memref_squeeze %dma_start3A_142 : memref<1x40x128xi32, #tpu.memory_space<hbm>> -> memref<40x128xi32, #tpu.memory_space<hbm>>
      %dma_start3A_144 = arith.constant 40 : i32
      %dma_start3A_145 = arith.constant 0 : i32
      %dma_start3A_146 = tpu.memref_slice %arg4[%add3A, %dma_start3A_144, %dma_start3A_145] : memref<32x80x128xi32, #tpu.memory_space<hbm>> -> memref<1x40x128xi32, #tpu.memory_space<hbm>>
      %dma_start3A_147 = tpu.memref_squeeze %dma_start3A_146 : memref<1x40x128xi32, #tpu.memory_space<hbm>> -> memref<40x128xi32, #tpu.memory_space<hbm>>
      tpu.enqueue_dma source(%dma_start3A_147 : memref<40x128xi32, #tpu.memory_space<hbm>>) target(%arg8 : memref<40x128xi32, #tpu.memory_space<vmem>>) target_semaphore(%run_scoped3A : memref<!tpu.dma_semaphore, #tpu.memory_space<semaphore_mem>>)
      %dma_wait3A_148 = arith.constant 40 : i32
      %dma_wait3A_149 = arith.constant 0 : i32
      %dma_wait3A_150 = tpu.memref_slice %arg4[%add3A, %dma_wait3A_148, %dma_wait3A_149] : memref<32x80x128xi32, #tpu.memory_space<hbm>> -> memref<1x40x128xi32, #tpu.memory_space<hbm>>
      %dma_wait3A_151 = tpu.memref_squeeze %dma_wait3A_150 : memref<1x40x128xi32, #tpu.memory_space<hbm>> -> memref<40x128xi32, #tpu.memory_space<hbm>>
      %dma_wait3A_152 = arith.constant 40 : i32
      %dma_wait3A_153 = arith.constant 0 : i32
      %dma_wait3A_154 = tpu.memref_slice %arg4[%add3A, %dma_wait3A_152, %dma_wait3A_153] : memref<32x80x128xi32, #tpu.memory_space<hbm>> -> memref<1x40x128xi32, #tpu.memory_space<hbm>>
      %dma_wait3A_155 = tpu.memref_squeeze %dma_wait3A_154 : memref<1x40x128xi32, #tpu.memory_space<hbm>> -> memref<40x128xi32, #tpu.memory_space<hbm>>
      tpu.wait_dma2 semaphore(%run_scoped3A : memref<!tpu.dma_semaphore, #tpu.memory_space<semaphore_mem>>) src(%dma_wait3A_155 : memref<40x128xi32, #tpu.memory_space<hbm>>) dst(%arg8 : memref<40x128xi32, #tpu.memory_space<vmem>>)
      tpu.yield
    }) : () -> ()
    %dma_start3A_68 = arith.constant 0 : i32
    %dma_start3A_69 = arith.constant 0 : i32
    %dma_start3A_70 = tpu.memref_slice %arg7[%dma_start3A_68, %dma_start3A_69] : memref<40x128xi32, #tpu.memory_space<vmem>> -> memref<1x128xi32, #tpu.memory_space<vmem>>
    %dma_start3A_71 = tpu.memref_squeeze %dma_start3A_70 : memref<1x128xi32, #tpu.memory_space<vmem>> -> memref<128xi32, #tpu.memory_space<vmem>>
    %dma_start3A_72 = arith.constant 0 : i32
    %dma_start3A_73 = arith.constant 0 : i32
    %dma_start3A_74 = tpu.memref_slice %arg2[%dma_start3A_72, %dma_start3A_73] : memref<10016x128xf32, #tpu.memory_space<hbm>> -> memref<10016x128xf32, #tpu.memory_space<hbm>>
    tpu.enqueue_indirect_dma source(%dma_start3A_74 : memref<10016x128xf32, #tpu.memory_space<hbm>>) target(%arg9 : memref<128x128xf32, #tpu.memory_space<vmem>>) offsets(%dma_start3A_71 : memref<128xi32, #tpu.memory_space<vmem>>) semaphore(%arg12 : memref<!tpu.dma_semaphore, #tpu.memory_space<semaphore_mem>>)
    %dma_wait3A_75 = arith.constant 0 : i32
    %dma_wait3A_76 = arith.constant 0 : i32
    %dma_wait3A_77 = tpu.memref_slice %arg7[%dma_wait3A_75, %dma_wait3A_76] : memref<40x128xi32, #tpu.memory_space<vmem>> -> memref<1x128xi32, #tpu.memory_space<vmem>>
    %dma_wait3A_78 = tpu.memref_squeeze %dma_wait3A_77 : memref<1x128xi32, #tpu.memory_space<vmem>> -> memref<128xi32, #tpu.memory_space<vmem>>
    %dma_wait3A_79 = arith.constant 0 : i32
    %dma_wait3A_80 = arith.constant 0 : i32
    %dma_wait3A_81 = tpu.memref_slice %arg2[%dma_wait3A_79, %dma_wait3A_80] : memref<10016x128xf32, #tpu.memory_space<hbm>> -> memref<10016x128xf32, #tpu.memory_space<hbm>>
    tpu.wait_indirect_dma semaphore(%arg12 : memref<!tpu.dma_semaphore, #tpu.memory_space<semaphore_mem>>) src(%dma_wait3A_81 : memref<10016x128xf32, #tpu.memory_space<hbm>>) dst(%arg9 : memref<128x128xf32, #tpu.memory_space<vmem>>)
    %dma_start3A_82 = arith.constant 0 : i32
    %dma_start3A_83 = arith.constant 0 : i32
    %dma_start3A_84 = tpu.memref_slice %arg8[%dma_start3A_82, %dma_start3A_83] : memref<40x128xi32, #tpu.memory_space<vmem>> -> memref<1x128xi32, #tpu.memory_space<vmem>>
    %dma_start3A_85 = tpu.memref_squeeze %dma_start3A_84 : memref<1x128xi32, #tpu.memory_space<vmem>> -> memref<128xi32, #tpu.memory_space<vmem>>
    %dma_start3A_86 = arith.constant 0 : i32
    %dma_start3A_87 = arith.constant 0 : i32
    %dma_start3A_88 = tpu.memref_slice %arg11[%dma_start3A_86, %dma_start3A_87] : memref<10000x128xf32, #tpu.memory_space<vmem_shared>> -> memref<10000x128xf32, #tpu.memory_space<vmem_shared>>
    tpu.enqueue_indirect_dma source(%arg9 : memref<128x128xf32, #tpu.memory_space<vmem>>) target(%dma_start3A_88 : memref<10000x128xf32, #tpu.memory_space<vmem_shared>>) offsets(%dma_start3A_85 : memref<128xi32, #tpu.memory_space<vmem>>) semaphore(%arg14 : memref<!tpu.dma_semaphore, #tpu.memory_space<semaphore_mem>>) {add = true}
    %dma_start3A_89 = arith.constant 1 : i32
    %dma_start3A_90 = arith.constant 0 : i32
    %dma_start3A_91 = tpu.memref_slice %arg7[%dma_start3A_89, %dma_start3A_90] : memref<40x128xi32, #tpu.memory_space<vmem>> -> memref<1x128xi32, #tpu.memory_space<vmem>>
    %dma_start3A_92 = tpu.memref_squeeze %dma_start3A_91 : memref<1x128xi32, #tpu.memory_space<vmem>> -> memref<128xi32, #tpu.memory_space<vmem>>
    %dma_start3A_93 = arith.constant 0 : i32
    %dma_start3A_94 = arith.constant 0 : i32
    %dma_start3A_95 = tpu.memref_slice %arg2[%dma_start3A_93, %dma_start3A_94] : memref<10016x128xf32, #tpu.memory_space<hbm>> -> memref<10016x128xf32, #tpu.memory_space<hbm>>
    tpu.enqueue_indirect_dma source(%dma_start3A_95 : memref<10016x128xf32, #tpu.memory_space<hbm>>) target(%arg10 : memref<128x128xf32, #tpu.memory_space<vmem>>) offsets(%dma_start3A_92 : memref<128xi32, #tpu.memory_space<vmem>>) semaphore(%arg13 : memref<!tpu.dma_semaphore, #tpu.memory_space<semaphore_mem>>)
    %scan3A_96 = arith.constant 0 : i32
    %scan3A_97 = arith.constant 0 : i32
    %scan3A_98 = arith.constant 19 : i32
    %scan3A_99 = arith.addi %scan3A_97, %scan3A_98 : i32
    %scan3A_100 = arith.constant 1 : i32
    scf.for %scan3A_140 = %scan3A_97 to %scan3A_99 step %scan3A_100  : i32 {
      %mul3A_141 = arith.constant 2 : i32
      %mul3A_142 = arith.muli %mul3A_141, %scan3A_140 : i32
      %add3A_143 = arith.constant 1 : i32
      %add3A_144 = arith.addi %mul3A_142, %add3A_143 : i32
      %dma_wait3A_145 = arith.constant 0 : i32
      %dma_wait3A_146 = arith.constant 0 : i32
      %dma_wait3A_147 = tpu.memref_slice %arg7[%dma_wait3A_145, %dma_wait3A_146] : memref<40x128xi32, #tpu.memory_space<vmem>> -> memref<1x128xi32, #tpu.memory_space<vmem>>
      %dma_wait3A_148 = tpu.memref_squeeze %dma_wait3A_147 : memref<1x128xi32, #tpu.memory_space<vmem>> -> memref<128xi32, #tpu.memory_space<vmem>>
      %dma_wait3A_149 = arith.constant 0 : i32
      %dma_wait3A_150 = arith.constant 0 : i32
      %dma_wait3A_151 = tpu.memref_slice %arg2[%dma_wait3A_149, %dma_wait3A_150] : memref<10016x128xf32, #tpu.memory_space<hbm>> -> memref<10016x128xf32, #tpu.memory_space<hbm>>
      tpu.wait_indirect_dma semaphore(%arg13 : memref<!tpu.dma_semaphore, #tpu.memory_space<semaphore_mem>>) src(%dma_wait3A_151 : memref<10016x128xf32, #tpu.memory_space<hbm>>) dst(%arg10 : memref<128x128xf32, #tpu.memory_space<vmem>>)
      %dma_start3A_152 = arith.constant 0 : i32
      %dma_start3A_153 = tpu.memref_slice %arg8[%add3A_144, %dma_start3A_152] : memref<40x128xi32, #tpu.memory_space<vmem>> -> memref<1x128xi32, #tpu.memory_space<vmem>>
      %dma_start3A_154 = tpu.memref_squeeze %dma_start3A_153 : memref<1x128xi32, #tpu.memory_space<vmem>> -> memref<128xi32, #tpu.memory_space<vmem>>
      %dma_start3A_155 = arith.constant 0 : i32
      %dma_start3A_156 = arith.constant 0 : i32
      %dma_start3A_157 = tpu.memref_slice %arg11[%dma_start3A_155, %dma_start3A_156] : memref<10000x128xf32, #tpu.memory_space<vmem_shared>> -> memref<10000x128xf32, #tpu.memory_space<vmem_shared>>
      tpu.enqueue_indirect_dma source(%arg10 : memref<128x128xf32, #tpu.memory_space<vmem>>) target(%dma_start3A_157 : memref<10000x128xf32, #tpu.memory_space<vmem_shared>>) offsets(%dma_start3A_154 : memref<128xi32, #tpu.memory_space<vmem>>) semaphore(%arg15 : memref<!tpu.dma_semaphore, #tpu.memory_space<semaphore_mem>>) {add = true}
      %dma_wait3A_158 = arith.constant 0 : i32
      %dma_wait3A_159 = arith.constant 0 : i32
      %dma_wait3A_160 = tpu.memref_slice %arg8[%dma_wait3A_158, %dma_wait3A_159] : memref<40x128xi32, #tpu.memory_space<vmem>> -> memref<1x128xi32, #tpu.memory_space<vmem>>
      %dma_wait3A_161 = tpu.memref_squeeze %dma_wait3A_160 : memref<1x128xi32, #tpu.memory_space<vmem>> -> memref<128xi32, #tpu.memory_space<vmem>>
      %dma_wait3A_162 = arith.constant 0 : i32
      %dma_wait3A_163 = arith.constant 0 : i32
      %dma_wait3A_164 = tpu.memref_slice %arg11[%dma_wait3A_162, %dma_wait3A_163] : memref<10000x128xf32, #tpu.memory_space<vmem_shared>> -> memref<10000x128xf32, #tpu.memory_space<vmem_shared>>
      tpu.wait_indirect_dma semaphore(%arg14 : memref<!tpu.dma_semaphore, #tpu.memory_space<semaphore_mem>>) src(%arg9 : memref<128x128xf32, #tpu.memory_space<vmem>>) dst(%dma_wait3A_164 : memref<10000x128xf32, #tpu.memory_space<vmem_shared>>)
      %add3A_165 = arith.constant 1 : i32
      %add3A_166 = arith.addi %add3A_144, %add3A_165 : i32
      %dma_start3A_167 = arith.constant 0 : i32
      %dma_start3A_168 = tpu.memref_slice %arg7[%add3A_166, %dma_start3A_167] : memref<40x128xi32, #tpu.memory_space<vmem>> -> memref<1x128xi32, #tpu.memory_space<vmem>>
      %dma_start3A_169 = tpu.memref_squeeze %dma_start3A_168 : memref<1x128xi32, #tpu.memory_space<vmem>> -> memref<128xi32, #tpu.memory_space<vmem>>
      %dma_start3A_170 = arith.constant 0 : i32
      %dma_start3A_171 = arith.constant 0 : i32
      %dma_start3A_172 = tpu.memref_slice %arg2[%dma_start3A_170, %dma_start3A_171] : memref<10016x128xf32, #tpu.memory_space<hbm>> -> memref<10016x128xf32, #tpu.memory_space<hbm>>
      tpu.enqueue_indirect_dma source(%dma_start3A_172 : memref<10016x128xf32, #tpu.memory_space<hbm>>) target(%arg9 : memref<128x128xf32, #tpu.memory_space<vmem>>) offsets(%dma_start3A_169 : memref<128xi32, #tpu.memory_space<vmem>>) semaphore(%arg12 : memref<!tpu.dma_semaphore, #tpu.memory_space<semaphore_mem>>)
      %dma_wait3A_173 = arith.constant 0 : i32
      %dma_wait3A_174 = arith.constant 0 : i32
      %dma_wait3A_175 = tpu.memref_slice %arg7[%dma_wait3A_173, %dma_wait3A_174] : memref<40x128xi32, #tpu.memory_space<vmem>> -> memref<1x128xi32, #tpu.memory_space<vmem>>
      %dma_wait3A_176 = tpu.memref_squeeze %dma_wait3A_175 : memref<1x128xi32, #tpu.memory_space<vmem>> -> memref<128xi32, #tpu.memory_space<vmem>>
      %dma_wait3A_177 = arith.constant 0 : i32
      %dma_wait3A_178 = arith.constant 0 : i32
      %dma_wait3A_179 = tpu.memref_slice %arg2[%dma_wait3A_177, %dma_wait3A_178] : memref<10016x128xf32, #tpu.memory_space<hbm>> -> memref<10016x128xf32, #tpu.memory_space<hbm>>
      tpu.wait_indirect_dma semaphore(%arg12 : memref<!tpu.dma_semaphore, #tpu.memory_space<semaphore_mem>>) src(%dma_wait3A_179 : memref<10016x128xf32, #tpu.memory_space<hbm>>) dst(%arg9 : memref<128x128xf32, #tpu.memory_space<vmem>>)
      %add3A_180 = arith.constant 1 : i32
      %add3A_181 = arith.addi %add3A_144, %add3A_180 : i32
      %dma_start3A_182 = arith.constant 0 : i32
      %dma_start3A_183 = tpu.memref_slice %arg8[%add3A_181, %dma_start3A_182] : memref<40x128xi32, #tpu.memory_space<vmem>> -> memref<1x128xi32, #tpu.memory_space<vmem>>
      %dma_start3A_184 = tpu.memref_squeeze %dma_start3A_183 : memref<1x128xi32, #tpu.memory_space<vmem>> -> memref<128xi32, #tpu.memory_space<vmem>>
      %dma_start3A_185 = arith.constant 0 : i32
      %dma_start3A_186 = arith.constant 0 : i32
      %dma_start3A_187 = tpu.memref_slice %arg11[%dma_start3A_185, %dma_start3A_186] : memref<10000x128xf32, #tpu.memory_space<vmem_shared>> -> memref<10000x128xf32, #tpu.memory_space<vmem_shared>>
      tpu.enqueue_indirect_dma source(%arg9 : memref<128x128xf32, #tpu.memory_space<vmem>>) target(%dma_start3A_187 : memref<10000x128xf32, #tpu.memory_space<vmem_shared>>) offsets(%dma_start3A_184 : memref<128xi32, #tpu.memory_space<vmem>>) semaphore(%arg14 : memref<!tpu.dma_semaphore, #tpu.memory_space<semaphore_mem>>) {add = true}
      %dma_wait3A_188 = arith.constant 0 : i32
      %dma_wait3A_189 = arith.constant 0 : i32
      %dma_wait3A_190 = tpu.memref_slice %arg8[%dma_wait3A_188, %dma_wait3A_189] : memref<40x128xi32, #tpu.memory_space<vmem>> -> memref<1x128xi32, #tpu.memory_space<vmem>>
      %dma_wait3A_191 = tpu.memref_squeeze %dma_wait3A_190 : memref<1x128xi32, #tpu.memory_space<vmem>> -> memref<128xi32, #tpu.memory_space<vmem>>
      %dma_wait3A_192 = arith.constant 0 : i32
      %dma_wait3A_193 = arith.constant 0 : i32
      %dma_wait3A_194 = tpu.memref_slice %arg11[%dma_wait3A_192, %dma_wait3A_193] : memref<10000x128xf32, #tpu.memory_space<vmem_shared>> -> memref<10000x128xf32, #tpu.memory_space<vmem_shared>>
      tpu.wait_indirect_dma semaphore(%arg15 : memref<!tpu.dma_semaphore, #tpu.memory_space<semaphore_mem>>) src(%arg10 : memref<128x128xf32, #tpu.memory_space<vmem>>) dst(%dma_wait3A_194 : memref<10000x128xf32, #tpu.memory_space<vmem_shared>>)
      %add3A_195 = arith.constant 2 : i32
      %add3A_196 = arith.addi %add3A_144, %add3A_195 : i32
      %lt3A_197 = arith.constant 40 : i32
      %lt3A_198 = arith.cmpi slt, %add3A_196, %lt3A_197 : i32
      %convert_element_type3A_199 = arith.extui %lt3A_198 : i1 to i32
      %cond3A_200 = arith.constant 0 : i32
      %cond3A_201 = arith.cmpi ne, %convert_element_type3A_199, %cond3A_200 : i32
      scf.if %cond3A_201 {
        %add3A_202 = arith.constant 2 : i32
        %add3A_203 = arith.addi %add3A_144, %add3A_202 : i32
        %dma_start3A_204 = arith.constant 0 : i32
        %dma_start3A_205 = tpu.memref_slice %arg7[%add3A_203, %dma_start3A_204] : memref<40x128xi32, #tpu.memory_space<vmem>> -> memref<1x128xi32, #tpu.memory_space<vmem>>
        %dma_start3A_206 = tpu.memref_squeeze %dma_start3A_205 : memref<1x128xi32, #tpu.memory_space<vmem>> -> memref<128xi32, #tpu.memory_space<vmem>>
        %dma_start3A_207 = arith.constant 0 : i32
        %dma_start3A_208 = arith.constant 0 : i32
        %dma_start3A_209 = tpu.memref_slice %arg2[%dma_start3A_207, %dma_start3A_208] : memref<10016x128xf32, #tpu.memory_space<hbm>> -> memref<10016x128xf32, #tpu.memory_space<hbm>>
        tpu.enqueue_indirect_dma source(%dma_start3A_209 : memref<10016x128xf32, #tpu.memory_space<hbm>>) target(%arg10 : memref<128x128xf32, #tpu.memory_space<vmem>>) offsets(%dma_start3A_206 : memref<128xi32, #tpu.memory_space<vmem>>) semaphore(%arg13 : memref<!tpu.dma_semaphore, #tpu.memory_space<semaphore_mem>>)
      } else {
      }
    }
    %scan3A_101 = arith.constant 19 : i32
    %dma_wait3A_102 = arith.constant 0 : i32
    %dma_wait3A_103 = arith.constant 0 : i32
    %dma_wait3A_104 = tpu.memref_slice %arg7[%dma_wait3A_102, %dma_wait3A_103] : memref<40x128xi32, #tpu.memory_space<vmem>> -> memref<1x128xi32, #tpu.memory_space<vmem>>
    %dma_wait3A_105 = tpu.memref_squeeze %dma_wait3A_104 : memref<1x128xi32, #tpu.memory_space<vmem>> -> memref<128xi32, #tpu.memory_space<vmem>>
    %dma_wait3A_106 = arith.constant 0 : i32
    %dma_wait3A_107 = arith.constant 0 : i32
    %dma_wait3A_108 = tpu.memref_slice %arg2[%dma_wait3A_106, %dma_wait3A_107] : memref<10016x128xf32, #tpu.memory_space<hbm>> -> memref<10016x128xf32, #tpu.memory_space<hbm>>
    tpu.wait_indirect_dma semaphore(%arg13 : memref<!tpu.dma_semaphore, #tpu.memory_space<semaphore_mem>>) src(%dma_wait3A_108 : memref<10016x128xf32, #tpu.memory_space<hbm>>) dst(%arg10 : memref<128x128xf32, #tpu.memory_space<vmem>>)
    %dma_start3A_109 = arith.constant 39 : i32
    %dma_start3A_110 = arith.constant 0 : i32
    %dma_start3A_111 = tpu.memref_slice %arg8[%dma_start3A_109, %dma_start3A_110] : memref<40x128xi32, #tpu.memory_space<vmem>> -> memref<1x128xi32, #tpu.memory_space<vmem>>
    %dma_start3A_112 = tpu.memref_squeeze %dma_start3A_111 : memref<1x128xi32, #tpu.memory_space<vmem>> -> memref<128xi32, #tpu.memory_space<vmem>>
    %dma_start3A_113 = arith.constant 0 : i32
    %dma_start3A_114 = arith.constant 0 : i32
    %dma_start3A_115 = tpu.memref_slice %arg11[%dma_start3A_113, %dma_start3A_114] : memref<10000x128xf32, #tpu.memory_space<vmem_shared>> -> memref<10000x128xf32, #tpu.memory_space<vmem_shared>>
    tpu.enqueue_indirect_dma source(%arg10 : memref<128x128xf32, #tpu.memory_space<vmem>>) target(%dma_start3A_115 : memref<10000x128xf32, #tpu.memory_space<vmem_shared>>) offsets(%dma_start3A_112 : memref<128xi32, #tpu.memory_space<vmem>>) semaphore(%arg15 : memref<!tpu.dma_semaphore, #tpu.memory_space<semaphore_mem>>) {add = true}
    %dma_wait3A_116 = arith.constant 0 : i32
    %dma_wait3A_117 = arith.constant 0 : i32
    %dma_wait3A_118 = tpu.memref_slice %arg8[%dma_wait3A_116, %dma_wait3A_117] : memref<40x128xi32, #tpu.memory_space<vmem>> -> memref<1x128xi32, #tpu.memory_space<vmem>>
    %dma_wait3A_119 = tpu.memref_squeeze %dma_wait3A_118 : memref<1x128xi32, #tpu.memory_space<vmem>> -> memref<128xi32, #tpu.memory_space<vmem>>
    %dma_wait3A_120 = arith.constant 0 : i32
    %dma_wait3A_121 = arith.constant 0 : i32
    %dma_wait3A_122 = tpu.memref_slice %arg11[%dma_wait3A_120, %dma_wait3A_121] : memref<10000x128xf32, #tpu.memory_space<vmem_shared>> -> memref<10000x128xf32, #tpu.memory_space<vmem_shared>>
    tpu.wait_indirect_dma semaphore(%arg14 : memref<!tpu.dma_semaphore, #tpu.memory_space<semaphore_mem>>) src(%arg9 : memref<128x128xf32, #tpu.memory_space<vmem>>) dst(%dma_wait3A_122 : memref<10000x128xf32, #tpu.memory_space<vmem_shared>>)
    %dma_wait3A_123 = arith.constant 0 : i32
    %dma_wait3A_124 = arith.constant 0 : i32
    %dma_wait3A_125 = tpu.memref_slice %arg8[%dma_wait3A_123, %dma_wait3A_124] : memref<40x128xi32, #tpu.memory_space<vmem>> -> memref<1x128xi32, #tpu.memory_space<vmem>>
    %dma_wait3A_126 = tpu.memref_squeeze %dma_wait3A_125 : memref<1x128xi32, #tpu.memory_space<vmem>> -> memref<128xi32, #tpu.memory_space<vmem>>
    %dma_wait3A_127 = arith.constant 0 : i32
    %dma_wait3A_128 = arith.constant 0 : i32
    %dma_wait3A_129 = tpu.memref_slice %arg11[%dma_wait3A_127, %dma_wait3A_128] : memref<10000x128xf32, #tpu.memory_space<vmem_shared>> -> memref<10000x128xf32, #tpu.memory_space<vmem_shared>>
    tpu.wait_indirect_dma semaphore(%arg15 : memref<!tpu.dma_semaphore, #tpu.memory_space<semaphore_mem>>) src(%arg10 : memref<128x128xf32, #tpu.memory_space<vmem>>) dst(%dma_wait3A_129 : memref<10000x128xf32, #tpu.memory_space<vmem_shared>>)
    %barrier3A_130 = arith.constant 0 : index
    tpu.barrier barrier_id(%barrier3A_130)
    %lt3A = arith.constant 15 : i32
    %lt3A_131 = arith.cmpi slt, %arg1, %lt3A : i32
    %convert_element_type3A_132 = arith.extui %lt3A_131 : i1 to i32
    %cond3A_133 = arith.constant 0 : i32
    %cond3A_134 = arith.cmpi ne, %convert_element_type3A_132, %cond3A_133 : i32
    scf.if %cond3A_134 {
      "tpu.region"() ({
        %run_scoped3A = tpu.sem_alloc : memref<!tpu.dma_semaphore, #tpu.memory_space<semaphore_mem>>
        %dma_start3A_140 = arith.constant 0 : i32
        %dma_start3A_141 = tpu.memref_slice %arg6[%arg0, %mul3A_2, %dma_start3A_140] : memref<2x10000x128xf32, #tpu.memory_space<hbm>> -> memref<1x624x128xf32, #tpu.memory_space<hbm>>
        %dma_start3A_142 = tpu.memref_squeeze %dma_start3A_141 : memref<1x624x128xf32, #tpu.memory_space<hbm>> -> memref<624x128xf32, #tpu.memory_space<hbm>>
        %dma_start3A_143 = arith.constant 0 : i32
        %dma_start3A_144 = tpu.memref_slice %arg11[%mul3A_2, %dma_start3A_143] : memref<10000x128xf32, #tpu.memory_space<vmem_shared>> -> memref<624x128xf32, #tpu.memory_space<vmem_shared>>
        tpu.enqueue_dma source(%dma_start3A_144 : memref<624x128xf32, #tpu.memory_space<vmem_shared>>) target(%dma_start3A_142 : memref<624x128xf32, #tpu.memory_space<hbm>>) target_semaphore(%run_scoped3A : memref<!tpu.dma_semaphore, #tpu.memory_space<semaphore_mem>>)
        %dma_wait3A_145 = arith.constant 0 : i32
        %dma_wait3A_146 = tpu.memref_slice %arg6[%arg0, %mul3A_2, %dma_wait3A_145] : memref<2x10000x128xf32, #tpu.memory_space<hbm>> -> memref<1x624x128xf32, #tpu.memory_space<hbm>>
        %dma_wait3A_147 = tpu.memref_squeeze %dma_wait3A_146 : memref<1x624x128xf32, #tpu.memory_space<hbm>> -> memref<624x128xf32, #tpu.memory_space<hbm>>
        %dma_wait3A_148 = arith.constant 0 : i32
        %dma_wait3A_149 = tpu.memref_slice %arg11[%mul3A_2, %dma_wait3A_148] : memref<10000x128xf32, #tpu.memory_space<vmem_shared>> -> memref<624x128xf32, #tpu.memory_space<vmem_shared>>
        tpu.wait_dma2 semaphore(%run_scoped3A : memref<!tpu.dma_semaphore, #tpu.memory_space<semaphore_mem>>) src(%dma_wait3A_149 : memref<624x128xf32, #tpu.memory_space<vmem_shared>>) dst(%dma_wait3A_147 : memref<624x128xf32, #tpu.memory_space<hbm>>)
        tpu.yield
      }) : () -> ()
    } else {
    }
    %eq3A_135 = arith.constant 15 : i32
    %eq3A_136 = arith.cmpi eq, %arg1, %eq3A_135 : i32
    %convert_element_type3A_137 = arith.extui %eq3A_136 : i1 to i32
    %cond3A_138 = arith.constant 0 : i32
    %cond3A_139 = arith.cmpi ne, %convert_element_type3A_137, %cond3A_138 : i32
    scf.if %cond3A_139 {
      "tpu.region"() ({
        %run_scoped3A = tpu.sem_alloc : memref<!tpu.dma_semaphore, #tpu.memory_space<semaphore_mem>>
        %dma_start3A_140 = arith.constant 9360 : i32
        %dma_start3A_141 = arith.constant 0 : i32
        %dma_start3A_142 = tpu.memref_slice %arg6[%arg0, %dma_start3A_140, %dma_start3A_141] : memref<2x10000x128xf32, #tpu.memory_space<hbm>> -> memref<1x640x128xf32, #tpu.memory_space<hbm>>
        %dma_start3A_143 = tpu.memref_squeeze %dma_start3A_142 : memref<1x640x128xf32, #tpu.memory_space<hbm>> -> memref<640x128xf32, #tpu.memory_space<hbm>>
        %dma_start3A_144 = arith.constant 9360 : i32
        %dma_start3A_145 = arith.constant 0 : i32
        %dma_start3A_146 = tpu.memref_slice %arg11[%dma_start3A_144, %dma_start3A_145] : memref<10000x128xf32, #tpu.memory_space<vmem_shared>> -> memref<640x128xf32, #tpu.memory_space<vmem_shared>>
        tpu.enqueue_dma source(%dma_start3A_146 : memref<640x128xf32, #tpu.memory_space<vmem_shared>>) target(%dma_start3A_143 : memref<640x128xf32, #tpu.memory_space<hbm>>) target_semaphore(%run_scoped3A : memref<!tpu.dma_semaphore, #tpu.memory_space<semaphore_mem>>)
        %dma_wait3A_147 = arith.constant 9360 : i32
        %dma_wait3A_148 = arith.constant 0 : i32
        %dma_wait3A_149 = tpu.memref_slice %arg6[%arg0, %dma_wait3A_147, %dma_wait3A_148] : memref<2x10000x128xf32, #tpu.memory_space<hbm>> -> memref<1x640x128xf32, #tpu.memory_space<hbm>>
        %dma_wait3A_150 = tpu.memref_squeeze %dma_wait3A_149 : memref<1x640x128xf32, #tpu.memory_space<hbm>> -> memref<640x128xf32, #tpu.memory_space<hbm>>
        %dma_wait3A_151 = arith.constant 9360 : i32
        %dma_wait3A_152 = arith.constant 0 : i32
        %dma_wait3A_153 = tpu.memref_slice %arg11[%dma_wait3A_151, %dma_wait3A_152] : memref<10000x128xf32, #tpu.memory_space<vmem_shared>> -> memref<640x128xf32, #tpu.memory_space<vmem_shared>>
        tpu.wait_dma2 semaphore(%run_scoped3A : memref<!tpu.dma_semaphore, #tpu.memory_space<semaphore_mem>>) src(%dma_wait3A_153 : memref<640x128xf32, #tpu.memory_space<vmem_shared>>) dst(%dma_wait3A_150 : memref<640x128xf32, #tpu.memory_space<hbm>>)
        tpu.yield
      }) : () -> ()
    } else {
    }
    return
  }
}

module attributes {stable_mosaic.version = 14 : i64} {
  func.func @_tc_layer2_body(%arg0: memref<2x10000x128xf32, #tpu.memory_space<vmem>>, %arg1: memref<128x128xf32, #tpu.memory_space<vmem>>, %arg2: memref<1x128xf32, #tpu.memory_space<vmem>>, %arg3: memref<128x128xf32, #tpu.memory_space<vmem>>, %arg4: memref<1x128xf32, #tpu.memory_space<vmem>>, %arg5: memref<1x128xf32, #tpu.memory_space<vmem>>, %arg6: memref<1x128xf32, #tpu.memory_space<vmem>>, %arg7: memref<1x10000xi32, #tpu.memory_space<vmem>>, %arg8: memref<10016x128xf32, #tpu.memory_space<vmem>>, %arg9: memref<64x128xf32, #tpu.memory_space<vmem>>, %arg10: memref<10000x256xf32, #tpu.memory_space<vmem>>, %arg11: memref<64x256xf32, #tpu.memory_space<vmem>>) attributes {dimension_semantics = [], scalar_prefetch = 0 : i64, scratch_operands = 0 : i64, tpu.core_type = #tpu.core_type<tc>} {
    %get3A = arith.constant 0 : index
    %get3A_0 = arith.constant 0 : index
    %get3A_1 = arith.constant 0 : index
    %get3A_2 = vector.load %arg0[%get3A, %get3A_0, %get3A_1] : memref<2x10000x128xf32, #tpu.memory_space<vmem>>, vector<1x10000x128xf32>
    %get3A_3 = vector.shape_cast %get3A_2 : vector<1x10000x128xf32> to vector<10000x128xf32>
    %get3A_4 = arith.constant 1 : index
    %get3A_5 = arith.constant 0 : index
    %get3A_6 = arith.constant 0 : index
    %get3A_7 = vector.load %arg0[%get3A_4, %get3A_5, %get3A_6] : memref<2x10000x128xf32, #tpu.memory_space<vmem>>, vector<1x10000x128xf32>
    %get3A_8 = vector.shape_cast %get3A_7 : vector<1x10000x128xf32> to vector<10000x128xf32>
    %add3A = arith.addf %get3A_3, %get3A_8 : vector<10000x128xf32>
    %get3A_9 = arith.constant 0 : index
    %get3A_10 = arith.constant 0 : index
    %get3A_11 = vector.load %arg1[%get3A_9, %get3A_10] : memref<128x128xf32, #tpu.memory_space<vmem>>, vector<128x128xf32>
    %dot_general3A = arith.constant dense<0.000000e+00> : vector<10000x128xf32>
    %dot_general3A_12 = tpu.matmul %add3A, %get3A_11, %dot_general3A {dimension_numbers = #tpu.dot_dimension_numbers<[1], [0], [0], [1], [0, 0, 1, 1], [], []>, precision = #tpu.contract_precision<fp32>, transpose_lhs_hint = false} : vector<10000x128xf32>, vector<128x128xf32>, vector<10000x128xf32> -> vector<10000x128xf32>
    %get3A_13 = arith.constant 0 : index
    %get3A_14 = arith.constant 0 : index
    %get3A_15 = vector.load %arg2[%get3A_13, %get3A_14] : memref<1x128xf32, #tpu.memory_space<vmem>>, vector<1x128xf32>
    %add3A_16 = vector.broadcast %get3A_15 : vector<1x128xf32> to vector<10000x128xf32>
    %add3A_17 = arith.addf %dot_general3A_12, %add3A_16 : vector<10000x128xf32>
    %max3A = arith.constant 0.000000e+00 : f32
    %max3A_18 = vector.broadcast %max3A : f32 to vector<10000x128xf32>
    %max3A_19 = arith.maximumf %add3A_17, %max3A_18 : vector<10000x128xf32>
    %get3A_20 = arith.constant 0 : index
    %get3A_21 = arith.constant 0 : index
    %get3A_22 = vector.load %arg3[%get3A_20, %get3A_21] : memref<128x128xf32, #tpu.memory_space<vmem>>, vector<128x128xf32>
    %dot_general3A_23 = arith.constant dense<0.000000e+00> : vector<10000x128xf32>
    %dot_general3A_24 = tpu.matmul %max3A_19, %get3A_22, %dot_general3A_23 {dimension_numbers = #tpu.dot_dimension_numbers<[1], [0], [0], [1], [0, 0, 1, 1], [], []>, precision = #tpu.contract_precision<fp32>, transpose_lhs_hint = false} : vector<10000x128xf32>, vector<128x128xf32>, vector<10000x128xf32> -> vector<10000x128xf32>
    %get3A_25 = arith.constant 0 : index
    %get3A_26 = arith.constant 0 : index
    %get3A_27 = vector.load %arg4[%get3A_25, %get3A_26] : memref<1x128xf32, #tpu.memory_space<vmem>>, vector<1x128xf32>
    %add3A_28 = vector.broadcast %get3A_27 : vector<1x128xf32> to vector<10000x128xf32>
    %add3A_29 = arith.addf %dot_general3A_24, %add3A_28 : vector<10000x128xf32>
    %max3A_30 = arith.constant 0.000000e+00 : f32
    %max3A_31 = vector.broadcast %max3A_30 : f32 to vector<10000x128xf32>
    %max3A_32 = arith.maximumf %add3A_29, %max3A_31 : vector<10000x128xf32>
    %reduce_sum3A = arith.constant dense<0.000000e+00> : vector<128xf32>
    %reduce_sum3A_33 = vector.multi_reduction <add>, %max3A_32, %reduce_sum3A [0] : vector<10000x128xf32> to vector<128xf32>
    %broadcast_in_dim3A = vector.shape_cast %reduce_sum3A_33 : vector<128xf32> to vector<1x128xf32>
    %div3A = arith.constant 1.000000e+04 : f32
    %div3A_34 = vector.broadcast %div3A : f32 to vector<1x128xf32>
    %div3A_35 = arith.divf %broadcast_in_dim3A, %div3A_34 : vector<1x128xf32>
    %sub3A = vector.broadcast %div3A_35 : vector<1x128xf32> to vector<10000x128xf32>
    %sub3A_36 = arith.subf %max3A_32, %sub3A : vector<10000x128xf32>
    %mul3A = arith.mulf %sub3A_36, %sub3A_36 : vector<10000x128xf32>
    %reduce_sum3A_37 = arith.constant dense<0.000000e+00> : vector<128xf32>
    %reduce_sum3A_38 = vector.multi_reduction <add>, %mul3A, %reduce_sum3A_37 [0] : vector<10000x128xf32> to vector<128xf32>
    %broadcast_in_dim3A_39 = vector.shape_cast %reduce_sum3A_38 : vector<128xf32> to vector<1x128xf32>
    %div3A_40 = arith.constant 1.000000e+04 : f32
    %div3A_41 = vector.broadcast %div3A_40 : f32 to vector<1x128xf32>
    %div3A_42 = arith.divf %broadcast_in_dim3A_39, %div3A_41 : vector<1x128xf32>
    %get3A_43 = arith.constant 0 : index
    %get3A_44 = arith.constant 0 : index
    %get3A_45 = vector.load %arg5[%get3A_43, %get3A_44] : memref<1x128xf32, #tpu.memory_space<vmem>>, vector<1x128xf32>
    %add3A_46 = arith.constant 9.99999974E-6 : f32
    %add3A_47 = vector.broadcast %add3A_46 : f32 to vector<1x128xf32>
    %add3A_48 = arith.addf %div3A_42, %add3A_47 : vector<1x128xf32>
    %rsqrt3A = math.rsqrt %add3A_48 : vector<1x128xf32>
    %mul3A_49 = arith.mulf %get3A_45, %rsqrt3A : vector<1x128xf32>
    %mul3A_50 = vector.broadcast %mul3A_49 : vector<1x128xf32> to vector<10000x128xf32>
    %mul3A_51 = arith.mulf %sub3A_36, %mul3A_50 : vector<10000x128xf32>
    %get3A_52 = arith.constant 0 : index
    %get3A_53 = arith.constant 0 : index
    %get3A_54 = vector.load %arg6[%get3A_52, %get3A_53] : memref<1x128xf32, #tpu.memory_space<vmem>>, vector<1x128xf32>
    %add3A_55 = vector.broadcast %get3A_54 : vector<1x128xf32> to vector<10000x128xf32>
    %add3A_56 = arith.addf %mul3A_51, %add3A_55 : vector<10000x128xf32>
    %get3A_57 = arith.constant 0 : index
    %get3A_58 = arith.constant 0 : index
    %get3A_59 = vector.load %arg7[%get3A_57, %get3A_58] : memref<1x10000xi32, #tpu.memory_space<vmem>>, vector<1x10000xi32>
    %iota3A = tpu.iota {dimensions = array<i32: 0>} : vector<64x10000xi32>
    %eq3A = vector.broadcast %get3A_59 : vector<1x10000xi32> to vector<64x10000xi32>
    %eq3A_60 = arith.cmpi eq, %eq3A, %iota3A : vector<64x10000xi32>
    %convert_element_type3A = arith.extui %eq3A_60 : vector<64x10000xi1> to vector<64x10000xi32>
    %convert_element_type3A_61 = arith.sitofp %convert_element_type3A : vector<64x10000xi32> to vector<64x10000xf32>
    %dot_general3A_62 = arith.constant dense<0.000000e+00> : vector<64x128xf32>
    %dot_general3A_63 = tpu.matmul %convert_element_type3A_61, %add3A_56, %dot_general3A_62 {dimension_numbers = #tpu.dot_dimension_numbers<[1], [0], [0], [1], [0, 0, 1, 1], [], []>, precision = #tpu.contract_precision<fp32>, transpose_lhs_hint = false} : vector<64x10000xf32>, vector<10000x128xf32>, vector<64x128xf32> -> vector<64x128xf32>
    %get3A_64 = arith.constant 0 : index
    %get3A_65 = arith.constant 0 : index
    %get3A_66 = vector.load %arg8[%get3A_64, %get3A_65] : memref<10016x128xf32, #tpu.memory_space<vmem>>, vector<10000x128xf32>
    %swap3A = arith.constant 0 : index
    %swap3A_67 = arith.constant 0 : index
    %swap3A_68 = vector.load %arg10[%swap3A, %swap3A_67] : memref<10000x256xf32, #tpu.memory_space<vmem>>, vector<10000x128xf32>
    tpu.vector_store %arg10[%swap3A, %swap3A_67], %get3A_66 {strides = array<i32>} : memref<10000x256xf32, #tpu.memory_space<vmem>>, vector<10000x128xf32>,
    %swap3A_69 = arith.constant 0 : index
    %swap3A_70 = arith.constant 128 : index
    %swap3A_71 = vector.load %arg10[%swap3A_69, %swap3A_70] : memref<10000x256xf32, #tpu.memory_space<vmem>>, vector<10000x128xf32>
    tpu.vector_store %arg10[%swap3A_69, %swap3A_70], %add3A_56 {strides = array<i32>} : memref<10000x256xf32, #tpu.memory_space<vmem>>, vector<10000x128xf32>,
    %get3A_72 = arith.constant 0 : index
    %get3A_73 = arith.constant 0 : index
    %get3A_74 = vector.load %arg9[%get3A_72, %get3A_73] : memref<64x128xf32, #tpu.memory_space<vmem>>, vector<64x128xf32>
    %swap3A_75 = arith.constant 0 : index
    %swap3A_76 = arith.constant 0 : index
    %swap3A_77 = vector.load %arg11[%swap3A_75, %swap3A_76] : memref<64x256xf32, #tpu.memory_space<vmem>>, vector<64x128xf32>
    tpu.vector_store %arg11[%swap3A_75, %swap3A_76], %get3A_74 {strides = array<i32>} : memref<64x256xf32, #tpu.memory_space<vmem>>, vector<64x128xf32>,
    %swap3A_78 = arith.constant 0 : index
    %swap3A_79 = arith.constant 128 : index
    %swap3A_80 = vector.load %arg11[%swap3A_78, %swap3A_79] : memref<64x256xf32, #tpu.memory_space<vmem>>, vector<64x128xf32>
    tpu.vector_store %arg11[%swap3A_78, %swap3A_79], %dot_general3A_63 {strides = array<i32>} : memref<64x256xf32, #tpu.memory_space<vmem>>, vector<64x128xf32>,
    return
  }
}

module attributes {stable_mosaic.version = 14 : i64} {
  func.func @_tc_layer1_body(%arg0: memref<2x10000x128xf32, #tpu.memory_space<vmem>>, %arg1: memref<128x128xf32, #tpu.memory_space<vmem>>, %arg2: memref<1x128xf32, #tpu.memory_space<vmem>>, %arg3: memref<128x128xf32, #tpu.memory_space<vmem>>, %arg4: memref<1x128xf32, #tpu.memory_space<vmem>>, %arg5: memref<1x128xf32, #tpu.memory_space<vmem>>, %arg6: memref<1x128xf32, #tpu.memory_space<vmem>>, %arg7: memref<1x10000xi32, #tpu.memory_space<vmem>>, %arg8: memref<10016x128xf32, #tpu.memory_space<vmem>>, %arg9: memref<64x128xf32, #tpu.memory_space<vmem>>) attributes {dimension_semantics = [], scalar_prefetch = 0 : i64, scratch_operands = 0 : i64, tpu.core_type = #tpu.core_type<tc>} {
    %get3A = arith.constant 0 : index
    %get3A_0 = arith.constant 0 : index
    %get3A_1 = arith.constant 0 : index
    %get3A_2 = vector.load %arg0[%get3A, %get3A_0, %get3A_1] : memref<2x10000x128xf32, #tpu.memory_space<vmem>>, vector<1x10000x128xf32>
    %get3A_3 = vector.shape_cast %get3A_2 : vector<1x10000x128xf32> to vector<10000x128xf32>
    %get3A_4 = arith.constant 1 : index
    %get3A_5 = arith.constant 0 : index
    %get3A_6 = arith.constant 0 : index
    %get3A_7 = vector.load %arg0[%get3A_4, %get3A_5, %get3A_6] : memref<2x10000x128xf32, #tpu.memory_space<vmem>>, vector<1x10000x128xf32>
    %get3A_8 = vector.shape_cast %get3A_7 : vector<1x10000x128xf32> to vector<10000x128xf32>
    %add3A = arith.addf %get3A_3, %get3A_8 : vector<10000x128xf32>
    %get3A_9 = arith.constant 0 : index
    %get3A_10 = arith.constant 0 : index
    %get3A_11 = vector.load %arg1[%get3A_9, %get3A_10] : memref<128x128xf32, #tpu.memory_space<vmem>>, vector<128x128xf32>
    %dot_general3A = arith.constant dense<0.000000e+00> : vector<10000x128xf32>
    %dot_general3A_12 = tpu.matmul %add3A, %get3A_11, %dot_general3A {dimension_numbers = #tpu.dot_dimension_numbers<[1], [0], [0], [1], [0, 0, 1, 1], [], []>, precision = #tpu.contract_precision<fp32>, transpose_lhs_hint = false} : vector<10000x128xf32>, vector<128x128xf32>, vector<10000x128xf32> -> vector<10000x128xf32>
    %get3A_13 = arith.constant 0 : index
    %get3A_14 = arith.constant 0 : index
    %get3A_15 = vector.load %arg2[%get3A_13, %get3A_14] : memref<1x128xf32, #tpu.memory_space<vmem>>, vector<1x128xf32>
    %add3A_16 = vector.broadcast %get3A_15 : vector<1x128xf32> to vector<10000x128xf32>
    %add3A_17 = arith.addf %dot_general3A_12, %add3A_16 : vector<10000x128xf32>
    %max3A = arith.constant 0.000000e+00 : f32
    %max3A_18 = vector.broadcast %max3A : f32 to vector<10000x128xf32>
    %max3A_19 = arith.maximumf %add3A_17, %max3A_18 : vector<10000x128xf32>
    %get3A_20 = arith.constant 0 : index
    %get3A_21 = arith.constant 0 : index
    %get3A_22 = vector.load %arg3[%get3A_20, %get3A_21] : memref<128x128xf32, #tpu.memory_space<vmem>>, vector<128x128xf32>
    %dot_general3A_23 = arith.constant dense<0.000000e+00> : vector<10000x128xf32>
    %dot_general3A_24 = tpu.matmul %max3A_19, %get3A_22, %dot_general3A_23 {dimension_numbers = #tpu.dot_dimension_numbers<[1], [0], [0], [1], [0, 0, 1, 1], [], []>, precision = #tpu.contract_precision<fp32>, transpose_lhs_hint = false} : vector<10000x128xf32>, vector<128x128xf32>, vector<10000x128xf32> -> vector<10000x128xf32>
    %get3A_25 = arith.constant 0 : index
    %get3A_26 = arith.constant 0 : index
    %get3A_27 = vector.load %arg4[%get3A_25, %get3A_26] : memref<1x128xf32, #tpu.memory_space<vmem>>, vector<1x128xf32>
    %add3A_28 = vector.broadcast %get3A_27 : vector<1x128xf32> to vector<10000x128xf32>
    %add3A_29 = arith.addf %dot_general3A_24, %add3A_28 : vector<10000x128xf32>
    %max3A_30 = arith.constant 0.000000e+00 : f32
    %max3A_31 = vector.broadcast %max3A_30 : f32 to vector<10000x128xf32>
    %max3A_32 = arith.maximumf %add3A_29, %max3A_31 : vector<10000x128xf32>
    %reduce_sum3A = arith.constant dense<0.000000e+00> : vector<128xf32>
    %reduce_sum3A_33 = vector.multi_reduction <add>, %max3A_32, %reduce_sum3A [0] : vector<10000x128xf32> to vector<128xf32>
    %broadcast_in_dim3A = vector.shape_cast %reduce_sum3A_33 : vector<128xf32> to vector<1x128xf32>
    %div3A = arith.constant 1.000000e+04 : f32
    %div3A_34 = vector.broadcast %div3A : f32 to vector<1x128xf32>
    %div3A_35 = arith.divf %broadcast_in_dim3A, %div3A_34 : vector<1x128xf32>
    %sub3A = vector.broadcast %div3A_35 : vector<1x128xf32> to vector<10000x128xf32>
    %sub3A_36 = arith.subf %max3A_32, %sub3A : vector<10000x128xf32>
    %mul3A = arith.mulf %sub3A_36, %sub3A_36 : vector<10000x128xf32>
    %reduce_sum3A_37 = arith.constant dense<0.000000e+00> : vector<128xf32>
    %reduce_sum3A_38 = vector.multi_reduction <add>, %mul3A, %reduce_sum3A_37 [0] : vector<10000x128xf32> to vector<128xf32>
    %broadcast_in_dim3A_39 = vector.shape_cast %reduce_sum3A_38 : vector<128xf32> to vector<1x128xf32>
    %div3A_40 = arith.constant 1.000000e+04 : f32
    %div3A_41 = vector.broadcast %div3A_40 : f32 to vector<1x128xf32>
    %div3A_42 = arith.divf %broadcast_in_dim3A_39, %div3A_41 : vector<1x128xf32>
    %get3A_43 = arith.constant 0 : index
    %get3A_44 = arith.constant 0 : index
    %get3A_45 = vector.load %arg5[%get3A_43, %get3A_44] : memref<1x128xf32, #tpu.memory_space<vmem>>, vector<1x128xf32>
    %add3A_46 = arith.constant 9.99999974E-6 : f32
    %add3A_47 = vector.broadcast %add3A_46 : f32 to vector<1x128xf32>
    %add3A_48 = arith.addf %div3A_42, %add3A_47 : vector<1x128xf32>
    %rsqrt3A = math.rsqrt %add3A_48 : vector<1x128xf32>
    %mul3A_49 = arith.mulf %get3A_45, %rsqrt3A : vector<1x128xf32>
    %mul3A_50 = vector.broadcast %mul3A_49 : vector<1x128xf32> to vector<10000x128xf32>
    %mul3A_51 = arith.mulf %sub3A_36, %mul3A_50 : vector<10000x128xf32>
    %get3A_52 = arith.constant 0 : index
    %get3A_53 = arith.constant 0 : index
    %get3A_54 = vector.load %arg6[%get3A_52, %get3A_53] : memref<1x128xf32, #tpu.memory_space<vmem>>, vector<1x128xf32>
    %add3A_55 = vector.broadcast %get3A_54 : vector<1x128xf32> to vector<10000x128xf32>
    %add3A_56 = arith.addf %mul3A_51, %add3A_55 : vector<10000x128xf32>
    %get3A_57 = arith.constant 0 : index
    %get3A_58 = arith.constant 0 : index
    %get3A_59 = vector.load %arg7[%get3A_57, %get3A_58] : memref<1x10000xi32, #tpu.memory_space<vmem>>, vector<1x10000xi32>
    %iota3A = tpu.iota {dimensions = array<i32: 0>} : vector<64x10000xi32>
    %eq3A = vector.broadcast %get3A_59 : vector<1x10000xi32> to vector<64x10000xi32>
    %eq3A_60 = arith.cmpi eq, %eq3A, %iota3A : vector<64x10000xi32>
    %convert_element_type3A = arith.extui %eq3A_60 : vector<64x10000xi1> to vector<64x10000xi32>
    %convert_element_type3A_61 = arith.sitofp %convert_element_type3A : vector<64x10000xi32> to vector<64x10000xf32>
    %dot_general3A_62 = arith.constant dense<0.000000e+00> : vector<64x128xf32>
    %dot_general3A_63 = tpu.matmul %convert_element_type3A_61, %add3A_56, %dot_general3A_62 {dimension_numbers = #tpu.dot_dimension_numbers<[1], [0], [0], [1], [0, 0, 1, 1], [], []>, precision = #tpu.contract_precision<fp32>, transpose_lhs_hint = false} : vector<64x10000xf32>, vector<10000x128xf32>, vector<64x128xf32> -> vector<64x128xf32>
    %swap3A = arith.constant 0 : index
    %swap3A_64 = arith.constant 0 : index
    %swap3A_65 = vector.load %arg8[%swap3A, %swap3A_64] : memref<10016x128xf32, #tpu.memory_space<vmem>>, vector<10000x128xf32>
    tpu.vector_store %arg8[%swap3A, %swap3A_64], %add3A_56 {strides = array<i32>} : memref<10016x128xf32, #tpu.memory_space<vmem>>, vector<10000x128xf32>,
    %broadcast_in_dim3A_66 = arith.constant 0.000000e+00 : f32
    %broadcast_in_dim3A_67 = vector.broadcast %broadcast_in_dim3A_66 : f32 to vector<16x128xf32>
    %swap3A_68 = arith.constant 10000 : index
    %swap3A_69 = arith.constant 0 : index
    %swap3A_70 = vector.load %arg8[%swap3A_68, %swap3A_69] : memref<10016x128xf32, #tpu.memory_space<vmem>>, vector<16x128xf32>
    tpu.vector_store %arg8[%swap3A_68, %swap3A_69], %broadcast_in_dim3A_67 {strides = array<i32>} : memref<10016x128xf32, #tpu.memory_space<vmem>>, vector<16x128xf32>,
    %swap3A_71 = arith.constant 0 : index
    %swap3A_72 = arith.constant 0 : index
    %swap3A_73 = vector.load %arg9[%swap3A_71, %swap3A_72] : memref<64x128xf32, #tpu.memory_space<vmem>>, vector<64x128xf32>
    tpu.vector_store %arg9[%swap3A_71, %swap3A_72], %dot_general3A_63 {strides = array<i32>} : memref<64x128xf32, #tpu.memory_space<vmem>>, vector<64x128xf32>,
    return
  }
}

</mosaic_0001>

<sc_bundles>
// kernel: kernel.6.cloned.1.call-start
scs
__scs_entry_jumppad:
0x0: {  	(pc) =	sbr.rel $0x88, $3  }
0x1: {  	(tag) =	ssettag $0x0;
	lr =	simm.s32 $0x1  }
0x2: {  	[smem:$0x3F92] =	sst lr;
	_ =	strace $0xD0000000  }
0x3: {  	_ = 	snop  }
0x4: {  	_ = 	snop  }
0x5: {  	_ = 	snop  }
0x6: {  	_ = 	snop  }
0x7: {  	_ = 	snop  }
__scs_overlays_trampoline_lowered:
0x8: {  	[smem:$0x3FA1] =	sst s0  }
0x9: {  	[smem:$0x3FA2] =	sst s1  }
0xa: {  	[smem:$0x3FA3] =	sst s2  }
0xb: {  	[smem:$0x3FA4] =	sst s3  }
0xc: {  	[smem:$0x3FA5] =	sst s4  }
0xd: {  	[smem:$0x3FA6] =	sst s5  }
0xe: {  	[smem:$0x3FA7] =	sst s6  }
0xf: {  	[smem:$0x3FA8] =	sst s7  }
0x10: {  	[smem:$0x3FA9] =	sst s8  }
0x11: {  	[smem:$0x3FAA] =	sst s9;
	s0 =	simm.s32 @!p0 $0x0  }
0x12: {  	s1 =	sld [smem:$0x3F90];
	s0 =	simm.s32 @p0 $0x1  }
0x13: {  	[smem:$0x3FAB] =	sst s0;
	s0 =	simm.s32 @!p1 $0x0  }
0x14: {  	s2 =	sld [smem:$0x3F8F];
	s0 =	simm.s32 @p1 $0x1  }
0x15: {  	[smem:$0x3FAC] =	sst s0;
	s0 =	simm.s32 @!p2 $0x0  }
0x16: {  	s3 =	sld [smem:$0x3FDB];
	s0 =	simm.s32 @p2 $0x1  }
0x17: {  	s4 =	simm.s32 $0x1BF5;
	[smem:$0x3FAE] =	sst s0  }
0x18: {  	s0 =	sld [smem:$0x3F91];
	_ =	swait.ge [sflag:s4], $0x0  }
0x19: {  	s7 =	sld [smem:$0x3F92]  }
0x1a: {  	s8 =	sadd.s32 $0xFFFFE003, lr  }
0x1b: {  	s9 =	sadd.s32 $0xFFFFFEF7, lr;
	s5 =	simm.s32 $0xFFFFFFFF;
	p2 =	slt.u32 s8, $0xFFFFF086  }
0x1c: {  	p1 =	slt.u32 s9, $0xF7A;
	s5 =	simm.s32 @!p2 $0x0  }
0x1d: {  	s5 =	simm.s32 @p1 $0x1;
	p0 =	seq.s32 s7, s2  }
0x1e: {  	s7 =	smul.u32 @!p0 $0xF7A, s2;
	p2 =	seq.s32 @!p0 s5, $0x0  }
0x1f: {  	s9 =	smul.u32 $0xF7A, s1;
	s8 =	simm.s32 @!p0 $0x1BF5;
	p2 =	por !p2, p0  }
0x20: {  	[sflag:s8] =	ssyncset.s32 @!p0 $0xFFFFF086;
	s6 =	sadd.s32 @!p0 s3, s7;
	s7 =	simm.s32 @!p0 $0x108  }
0x21: {  	s3 =	sadd.s32 s3, s9;
	s6 =	sadd.s32 @!p0 $0x88, s6;
	s7 =	simm.s32 @p2 $0x1082  }
0x22: {  	[simem:s7], [sflag:s8] =	dma.local @!p0 [hbm:s6], $0xF7A  }
0x23: {  	s9 =	sor.u32 $0xD0000000, s2;
	s6 =	simm.s32 $0x108;
	_ =	swait.ge @!p0 [sflag:s8], $0x0  }
0x24: {  	s3 =	sadd.s32 $0x88, s3;
	s6 =	simm.s32 @!p1 $0x1082;
	[sflag:s4] =	ssyncset.s32 $0xFFFFF086  }
0x25: {  	[simem:s6], [sflag:s4] =	dma.local [hbm:s3], $0xF7A  }
0x26: {  	[smem:$0x3F92] =	sst s1;
	(tag) =	ssettag s2;
	_ =	strace s9  }
0x27: {  	s1 =	sld [smem:$0x3FA2]  }
0x28: {  	s2 =	sld [smem:$0x3FA3]  }
0x29: {  	s4 =	sld [smem:$0x3FA5]  }
0x2a: {  	p0 =	seq.s32 s5, $0x0;
	s5 =	sld [smem:$0x3FA6]  }
0x2b: {  	s6 =	sld [smem:$0x3FA7]  }
0x2c: {  	s7 =	sld [smem:$0x3FA8]  }
0x2d: {  	s3 =	simm.s32 $0x108;
	s8 =	sld [smem:$0x3FA9]  }
0x2e: {  	s3 =	simm.s32 @!p0 $0x1082;
	s9 =	sld [smem:$0x3FAA]  }
0x2f: {  	lr =	sadd.s32 s0, s3;
	s0 =	sld [smem:$0x3FA1]  }
0x30: {  	s3 =	sld [smem:$0x3FA4]  }
0x31: {  	[smem:$0x3FAD] =	sst s10  }
0x32: {  	s10 =	sld [smem:$0x3FAB];
	_ =	sdelay $0x3  }
0x33: {  	p0 =	seq.s32 s10, $0x1;
	s10 =	sld [smem:$0x3FAD];
	_ =	sdelay $0x3  }
0x34: {  	[smem:$0x3FAD] =	sst s10  }
0x35: {  	s10 =	sld [smem:$0x3FAC];
	_ =	sdelay $0x3  }
0x36: {  	p1 =	seq.s32 s10, $0x1;
	s10 =	sld [smem:$0x3FAD];
	_ =	sdelay $0x3  }
0x37: {  	[smem:$0x3FAD] =	sst s10  }
0x38: {  	s10 =	sld [smem:$0x3FAE]  }
0x39: {  	_ = 	snop;
	(pc) =	sbr.ind lr, $3  }
0x3a: {  	_ = 	snop  }
0x3b: {  	_ = 	snop  }
0x3c: {  	p2 =	seq.s32 s10, $0x1;
	s10 =	sld [smem:$0x3FAD]  }
0x3d: {  	_ =	shalt  }
0x3e: {  	_ =	shalt  }
0x3f: {  	_ =	shalt  }
0x40: {  	_ =	shalt  }
0x41: {  	_ =	shalt  }
0x42: {  	_ =	shalt  }
0x43: {  	_ =	shalt  }
0x44: {  	_ =	shalt  }
0x45: {  	_ =	shalt  }
0x46: {  	_ =	shalt  }
0x47: {  	_ =	shalt  }
0x48: {  	_ =	shalt  }
0x49: {  	_ =	shalt  }
0x4a: {  	_ =	shalt  }
0x4b: {  	_ =	shalt  }
0x4c: {  	_ =	shalt  }
0x4d: {  	_ =	shalt  }
0x4e: {  	_ =	shalt  }
0x4f: {  	_ =	shalt  }
0x50: {  	_ =	shalt  }
0x51: {  	_ =	shalt  }
0x52: {  	_ =	shalt  }
0x53: {  	_ =	shalt  }
0x54: {  	_ =	shalt  }
0x55: {  	_ =	shalt  }
0x56: {  	_ =	shalt  }
0x57: {  	_ =	shalt  }
0x58: {  	_ =	shalt  }
0x59: {  	_ =	shalt  }
0x5a: {  	_ =	shalt  }
0x5b: {  	_ =	shalt  }
0x5c: {  	_ =	shalt  }
0x5d: {  	_ =	shalt  }
0x5e: {  	_ =	shalt  }
0x5f: {  	_ =	shalt  }
0x60: {  	_ =	shalt  }
0x61: {  	_ =	shalt  }
0x62: {  	_ =	shalt  }
0x63: {  	_ =	shalt  }
0x64: {  	_ =	shalt  }
0x65: {  	_ =	shalt  }
0x66: {  	_ =	shalt  }
0x67: {  	_ =	shalt  }
0x68: {  	_ =	shalt  }
0x69: {  	_ =	shalt  }
0x6a: {  	_ =	shalt  }
0x6b: {  	_ =	shalt  }
0x6c: {  	_ =	shalt  }
0x6d: {  	_ =	shalt  }
0x6e: {  	_ =	shalt  }
0x6f: {  	_ =	shalt  }
0x70: {  	_ =	shalt  }
0x71: {  	_ =	shalt  }
0x72: {  	_ =	shalt  }
0x73: {  	_ =	shalt  }
0x74: {  	_ =	shalt  }
0x75: {  	_ =	shalt  }
0x76: {  	_ =	shalt  }
0x77: {  	_ =	shalt  }
0x78: {  	_ =	shalt  }
0x79: {  	_ =	shalt  }
0x7a: {  	_ =	shalt  }
0x7b: {  	_ =	shalt  }
0x7c: {  	_ =	shalt  }
0x7d: {  	_ =	shalt  }
0x7e: {  	_ =	shalt  }
0x7f: {  	_ =	shalt  }
0x80: {  	_ =	shalt  }
0x81: {  	_ =	shalt  }
0x82: {  	_ =	shalt  }
0x83: {  	_ =	shalt  }
0x84: {  	_ =	shalt  }
0x85: {  	_ =	shalt  }
0x86: {  	_ =	shalt  }
0x87: {  	_ =	shalt  }
.Lfunc_end0:
.L_simem_size_0:
called_computation_lowered:
.L_overlay_start_0:
0x88: {  	s2 =	sld [smem:$0x3FD9]  }
0x89: {  	s3 =	sld [smem:$0x3FFE];
	_ =	sdelay $0x1  }
0x8a: {  	s1 =	srdreg.scid  }
0x8b: {  	s0 =	sand.u32 $0x1, s1  }
0x8c: {  	s14 =	sshll.u32 s0, $0xA;
	s2 =	sadd.s32 s3, s2  }
0x8d: {  	s2 =	sadd.s32 s2, s14  }
0x8e: {  	[smem:$0x3FB9] =	sst s2  }
0x8f: {  	_ = 	snop  }
0x90: {  	s2 =	sld [smem:$0x3FD0];
	_ =	sdelay $0x2  }
0x91: {  	s15 =	simm.s32 $0xA;
	s4 =	simm.s32 $0x10  }
0x92: {  	[smem:s4], [sflag:s15] =	dma.local [hbm:s2], $0x1  }
0x93: {  	_ =	swait.eq [sflag:s15], $0x1  }
0x94: {  	[sflag:s15] =	ssyncset.done $0x0  }
0x95: {  	[sflag:s15] =	ssyncadd.s32 $0xFFFFFFFF  }
0x96: {  	s16 =	sld [smem:$0x10];
	(tm) =	ssettm $0x1  }
0x97: {  	s17 =	sld [smem:$0x3FFB];
	_ =	sdelay $0x3  }
0x98: {  	_ =	strace s17  }
0x99: {  	s3 =	sld [smem:$0x3FFC];
	_ =	sdelay $0x3  }
0x9a: {  	_ =	strace s3  }
0x9b: {  	s3 =	sld [smem:$0x3FFD];
	_ =	sdelay $0x3  }
0x9c: {  	_ =	strace s3  }
0x9d: {  	_ =	strace $0x8FFFFFFF  }
0x9e: {  	s18 =	sld [smem:$0x3FDB];
	_ =	sdelay $0x1  }
0x9f: {  	s19 =	simm.s32 $_scs_section_size  }
0xa0: {  	s5 =	simm.s32 $_size__tile_overlayer_lowered;
	s6 =	simm.s32 $_tile_overlayer_lowered  }
0xa1: {  	s22 =	simm.s32 $0x1BFF;
	s21 =	sshll.u32 s6, $0x1;
	s3 =	sadd.s32 s19, s18  }
0xa2: {  	s7 =	simm.s32 $0x0;
	s20 =	sshll.u32 s5, $0x1;
	s5 =	sadd.s32 s21, s3  }
0xa3: {  	[timem:s7], [sflag:s22] =	dma.local [hbm:s5], s20  }
0xa4: {  	_ =	swait.ge [sflag:s22], s20  }
0xa5: {  	s4 =	ssub.s32 $0x0, s20;
	[sflag:s22] =	ssyncset.done $0x0  }
0xa6: {  	[sflag:s22] =	ssyncadd.s32 s4;
	_ =	sdelay $0x1  }
0xa7: {  	s23 =	simm.s32 $0x1B8B  }
0xa8: {  	_ =	swait.ge [sflag:s23], $0x1  }
0xa9: {  	[sflag:s23] =	ssyncset.done $0x0  }
0xaa: {  	s25 =	simm.s32 $0x1B8E;
	s24 =	sld [smem:$0x3FFE];
	[sflag:s23] =	ssyncadd.s32 $0xFFFFFFFF  }
0xab: {  	s26 =	simm.s32 $execute0_lowered;
	[smem:$0x3FD2] =	sst s25  }
0xac: {  	s5 =	sshll.u32 s26, $0x1;
	_ =	strace $0x80000046;
	[dreg:$0x1] =	wrdreg $0xFFFFFFFF  }
0xad: {  	s28 =	simm.s32 $_size_execute0_lowered;
	s3 =	sadd.s32 s3, s5;
	[dreg:$0x0] =	wrdreg $0x0  }
0xae: {  	s5 =	sshll.u32 s28, $0x1;
	[dreg:$0x2] =	wrdreg s3  }
0xaf: {  	[dreg:$0x3] =	wrdreg s5  }
0xb0: {  	[dreg:$0x4] =	wrdreg $0xC0  }
0xb1: {  	_ =	task [dreg:s7], $0x5FFFF  }
0xb2: {  	[dreg:$0x1] =	wrdreg $0xFFFFFFFF  }
0xb3: {  	[dreg:$0x0] =	wrdreg $0x60  }
0xb4: {  	[dreg:$0x2] =	wrdreg s24  }
0xb5: {  	[dreg:$0x3] =	wrdreg s16  }
0xb6: {  	[dreg:$0x4] =	wrdreg $0xA8000  }
0xb7: {  	[dreg:$0x5] =	wrdreg $0x9  }
0xb8: {  	_ =	task.clear_ibuf [dreg:s7], $0x6FFFF;
	_ =	strace $0x90000046  }
0xb9: {  	s29 =	simm.s32 $0x9;
	_ =	strace $0x80000048  }
0xba: {  	_ =	swait.ge [sflag:s29], $0x1  }
0xbb: {  	[sflag:s29] =	ssyncadd.s32 $0xFFFFFFFF  }
0xbc: {  	_ =	strace $0x90000048  }
0xbd: {  	_ =	sfence  }
0xbe: {  	s30 =	sld [smem:$0x0];
	_ =	sdelay $0x2  }
0xbf: {  	s31 =	sshll.u32 s1, $0xD;
	s1 =	sshrl.u32 s1, $0x2  }
0xc0: {  	s3 =	sand.u32 $0x4000, s31;
	s1 =	sadd.s32 s1, s30  }
0xc1: {  	s0 =	sor.u32 s3, s0;
	s1 =	sshll.u32 s1, $0x11  }
0xc2: {  	s0 =	sor.u32 s1, s0  }
0xc3: {  	s0 =	sadd.s32 $0x8F2B, s0  }
0xc4: {  	[sflag:s0] =	ssyncadd.remote.s32 $0x1  }
0xc5: {  	_ =	sfence.sel $0xFFFF  }
0xc6: {  	[dreg:$0x0] =	wrdreg $0xFFFFFFFF;
	(pc) =	sbr.abs _section_cstart, $3  }
0xc7: {  	[dreg:$0x1] =	wrdreg $0xFFFFFFFF  }
0xc8: {  	_ =	task.clear_ibuf [dreg:s7], $0x2FFFF;
	_ =	strace $0x9FFFFFFF  }
0xc9: {  	(tm) =	ssettm $0x7FFFFFFF  }
tec
execute0_lowered:
.L_overlay_start_1:
0x0: {  	(tag) =	ssettag $0x1  }
0x1: {  	s0 =	rddreg [dreg:$0x0]  }
0x2: {  	s6 =	rddreg [dreg:$0x1]  }
0x3: {  	s1 =	rddreg [dreg:$0x2]  }
0x4: {  	s3 =	simm.s32 $0x0;
	s2 =	stileid.u32;
	s5 =	srdreg.scid  }
0x5: {  	s28 =	simm.s32 $0x2;
	s29 =	simm.s32 $0x3;
	s30 =	simm.s32 $0x4  }
0x6: {  	s31 =	simm.s32 $0x2780;
	[smem:$0x7FF] =	sst s3;
	s4 =	sadd.s32 $0x2E00, s0  }
0x7: {  	s8 =	sadd.s32 $0x2A000, s0;
	s9 =	smul.u32 $0x2700, s2;
	s15 =	sand.u32 $0x1, s5  }
0x8: {  	s14 =	sadd.s32 $0x34000, s0;
	s7 =	smul.u32 $0x4E000, s2;
	s23 =	sadd.s32 $0x62900, s0  }
0x9: {  	s19 =	smul.u32 $0x13800, s2;
	_ =	strace $0x80000047;
	s5 =	ssub.s32 $0x2, s15  }
0xa: {  	s12 =	sshll.u32 s15, $0x4;
	[dreg:$0x5] =	wrdreg s23;
	s16 =	smul.u32 $0x138800, s15  }
0xb: {  	p3 =	sne.s32 s15, $0x0;
	s23 =	simm.s32 $0x80;
	s10 =	sadd.s32 s9, s0  }
0xc: {  	s11 =	sshrl.u32 s5, $0x1;
	s20 =	sor.u32 s2, s12;
	s21 =	sshrl.u32 s7, $0x2  }
0xd: {  	s7 =	sadd.s32 $0x124800, s1;
	s9 =	sadd.s32 s4, s9;
	p1 =	seq.s32 @p3 s2, $0xF  }
0xe: {  	p4 =	seq.s32 @!p3 s2, $0xF;
	s17 =	ssub.s32 s5, s11;
	s5 =	sadd.s32 s21, s1  }
0xf: {  	s22 =	sadd.s32 $0x3E000, s10;
	s11 =	smul.u32 $0x2800, s20;
	[dreg:$0x6] =	wrdreg s9  }
0x10: {  	s10 =	sadd.s32 $0x27700, s0;
	s25 =	sadd.s32 s19, s16;
	s26 =	sshrl.u32 s16, $0x3  }
0x11: {  	p0 =	por p1, !p3;
	p1 =	por !p1, !p3;
	p2 =	por !p4, p3  }
0x12: {  	p3 =	por p4, p3;
	s21 =	simm.s32 $0x5;
	p4 =	seq.s32 s2, $0xF  }
0x13: {  	[dreg:$0x4] =	wrdreg s22;
	s0 =	sshrl.u32 s25, $0x3;
	s17 =	smax.u32 s17, $0x1  }
0x14: {  	s20 =	sshrl.u32 @!p0 s5, $0x3;
	s22 =	simm.s32 $0x1400;
	s25 =	simm.s32 $0x1  }
0x15: {  	s24 =	sshrl.u32 s11, $0x3;
	s15 =	sadd.s32 s6, s0;
	s0 =	sshll.u32 @!p0 s2, $0x6  }
0x16: {  	s11 =	sadd.s32 s8, s24;
	s18 =	sadd.s32 $0x280, s24;
	s12 =	sadd.s32 s14, s24  }
0x17: {  	s19 =	sor.u32 @!p0 $0x1C05, s0;
	s24 =	simm.s32 $0x2800;
	s0 =	simm.s32 $0x0  }
0x18: {  	s13 =	sadd.s32 s8, s18;
	s14 =	sadd.s32 s14, s18;
	s8 =	sadd.s32 s6, s26  }
0x19: {  	s18 =	sshrl.u32 @!p1 s7, $0x3;
	s26 =	simm.s32 $0x6800;
	s16 =	sadd.s32 $0x24900, s8  }
.LBB2_1:
0x1a: {  	s6 =	simm.s32 @!p1 $0x1FC5;
	s8 =	rddreg [dreg:$0x5]  }
0x1b: {  	[spmem:s18], [sflag:s6] =	dma.local @!p1 [hbm:s8], $0x2800  }
0x1c: {  	s6 =	simm.s32 @!p1 $0x5  }
0x1d: {  	_ =	swait.ge @!p1 [sflag:s6], $0x2800  }
0x1e: {  	[sflag:s6] =	ssyncset.done @!p1 $0x0  }
0x1f: {  	[sflag:s6] =	ssyncadd.s32 @!p1 $0xFFFFD800;
	s6 =	rddreg [dreg:$0x4]  }
0x20: {  	[spmem:s20], [sflag:s19] =	dma.local @!p0 [hbm:s6], $0x2700  }
0x21: {  	s6 =	simm.s32 @!p0 $0x5  }
0x22: {  	_ =	swait.ge @!p0 [sflag:s6], $0x2700  }
0x23: {  	[sflag:s6] =	ssyncset.done @!p0 $0x0  }
0x24: {  	s8 =	simm.s32 @!p2 $0x1FC5;
	[sflag:s6] =	ssyncadd.s32 @!p0 $0xFFFFD900;
	s6 =	sshrl.u32 @!p2 s7, $0x3  }
0x25: {  	[spmem:s6], [sflag:s8] =	dma.local @!p2 [hbm:s10], $0x2800  }
0x26: {  	s6 =	simm.s32 @!p2 $0x5  }
0x27: {  	_ =	swait.ge @!p2 [sflag:s6], $0x2800  }
0x28: {  	s8 =	sshll.u32 @!p3 s2, $0x6;
	[sflag:s6] =	ssyncset.done @!p2 $0x0;
	s9 =	rddreg [dreg:$0x6]  }
0x29: {  	[sflag:s6] =	ssyncadd.s32 @!p2 $0xFFFFD800;
	s6 =	sor.u32 @!p3 $0x1C05, s8;
	s8 =	sshrl.u32 @!p3 s5, $0x3  }
0x2a: {  	[spmem:s8], [sflag:s6] =	dma.local @!p3 [hbm:s9], $0x2700  }
0x2b: {  	s6 =	simm.s32 @!p3 $0x5  }
0x2c: {  	_ =	swait.ge @!p3 [sflag:s6], $0x2700  }
0x2d: {  	[sflag:s6] =	ssyncset.done @!p3 $0x0  }
0x2e: {  	[sflag:s6] =	ssyncadd.s32 @!p3 $0xFFFFD900  }
0x2f: {  	[bflag:$0x0] =	sbarrier.arrive $0xFFFF  }
0x30: {  	[tilespmem:s3], [sflag:$0x5] =	stream.linear.gather [hbm4b:s11+s3], $0x1400, $0x38;
	[tilespmem:$0x1E080] =	vst v63  }
0x31: {  	_ =	swait.ge [sflag:s21], $0x1400  }
0x32: {  	[sflag:s21] =	ssyncset.done $0x0  }
0x33: {  	[sflag:s21] =	ssyncadd.s32 $0xFFFFEC00  }
0x34: {  	[tilespmem:s22], [sflag:$0x5] =	stream.linear.gather [hbm4b:s12+s3], $0x1400, $0x38;
	[tilespmem:$0x1E080] =	vst v63  }
0x35: {  	_ =	swait.ge [sflag:s21], $0x1400  }
0x36: {  	[sflag:s21] =	ssyncset.done $0x0  }
0x37: {  	[sflag:s21] =	ssyncadd.s32 $0xFFFFEC00  }
0x38: {  	[tilespmem:s24], [sflag:$0x1] =	stream.indirect.gather [hbm4b:s4+s23], $0x80, s3, s23, $0xb8;
	[tilespmem:$0x1E080] =	vst v63  }
0x39: {  	_ =	swait.ge [sflag:s25], $0x4000  }
0x3a: {  	[sflag:s25] =	ssyncset.done $0x0  }
0x3b: {  	[sflag:s25] =	ssyncadd.s32 $0xFFFFC000  }
0x3c: {  	[spmem:s1] =	stream.indirect.scatter.add.f32 [tilespmem:s24], [sflag:$0x3], $0x80, s22, s23, $0xb8;
	[tilespmem:$0x1E080] =	vst v63  }
0x3d: {  	_ = 	snop  }
0x3e: {  	[tilespmem:s26], [sflag:$0x2] =	stream.indirect.gather [hbm4b:s4+s23], $0x80, s23, s23, $0xb8;
	[tilespmem:$0x1E080] =	vst v63  }
0x3f: {  	_ =	swait.ge [sflag:s28], $0x4000  }
0x40: {  	[sflag:s28] =	ssyncset.done $0x0  }
0x41: {  	s9 =	simm.s32 $0x1480;
	[sflag:s28] =	ssyncadd.s32 $0xFFFFC000  }
0x42: {  	[spmem:s1] =	stream.indirect.scatter.add.f32 [tilespmem:s26], [sflag:$0x4], $0x80, s9, s23, $0xb8;
	[tilespmem:$0x1E080] =	vst v63  }
0x43: {  	_ =	swait.ge [sflag:s29], $0x4000  }
0x44: {  	[sflag:s29] =	ssyncset.done $0x0  }
0x45: {  	s8 =	simm.s32 $0x100;
	[sflag:s29] =	ssyncadd.s32 $0xFFFFC000  }
0x46: {  	[tilespmem:s24], [sflag:$0x1] =	stream.indirect.gather [hbm4b:s4+s23], $0x80, s8, s23, $0xb8;
	[tilespmem:$0x1E080] =	vst v63  }
0x47: {  	_ =	swait.ge [sflag:s25], $0x4000  }
0x48: {  	[sflag:s25] =	ssyncset.done $0x0  }
0x49: {  	s9 =	simm.s32 $0x1500;
	[sflag:s25] =	ssyncadd.s32 $0xFFFFC000  }
0x4a: {  	[spmem:s1] =	stream.indirect.scatter.add.f32 [tilespmem:s24], [sflag:$0x3], $0x80, s9, s23, $0xb8;
	[tilespmem:$0x1E080] =	vst v63  }
0x4b: {  	_ =	swait.ge [sflag:s30], $0x4000  }
0x4c: {  	[sflag:s30] =	ssyncset.done $0x0  }
0x4d: {  	s6 =	simm.s32 $0xFFFFB800;
	s8 =	simm.s32 $0x180;
	[sflag:s30] =	ssyncadd.s32 $0xFFFFC000  }
.LBB2_2:
0x4e: {  	[tilespmem:s26], [sflag:$0x2] =	stream.indirect.gather [hbm4b:s4+s23], $0x80, s8, s23, $0xb8;
	[tilespmem:$0x1E080] =	vst v63  }
0x4f: {  	s8 =	smov.u32 s6  }
0x50: {  	p5 =	sne.s32 s6, $0xFFFFFC00;
	s6 =	sadd.s32 $0x400, s6;
	_ =	swait.ge [sflag:s28], $0x4000  }
0x51: {  	s8 =	sshra.s32 s8, $0x2;
	[sflag:s28] =	ssyncset.done $0x0  }
0x52: {  	s9 =	sadd.s32 $0x2780, s8;
	[sflag:s28] =	ssyncadd.s32 $0xFFFFC000  }
0x53: {  	[spmem:s1] =	stream.indirect.scatter.add.f32 [tilespmem:s26], [sflag:$0x4], $0x80, s9, s23, $0xb8;
	[tilespmem:$0x1E080] =	vst v63  }
0x54: {  	_ =	swait.ge [sflag:s29], $0x4000  }
0x55: {  	[sflag:s29] =	ssyncset.done $0x0  }
0x56: {  	s9 =	sadd.s32 $0x1400, s8;
	[sflag:s29] =	ssyncadd.s32 $0xFFFFC000  }
0x57: {  	[tilespmem:s24], [sflag:$0x1] =	stream.indirect.gather [hbm4b:s4+s23], $0x80, s9, s23, $0xb8;
	[tilespmem:$0x1E080] =	vst v63  }
0x58: {  	_ =	swait.ge [sflag:s25], $0x4000  }
0x59: {  	[sflag:s25] =	ssyncset.done $0x0  }
.Ltmp0:
0x5a: {  	s9 =	sadd.s32 $0x2800, s8;
	[sflag:s25] =	ssyncadd.s32 $0xFFFFC000;
	(pc) =	sbr.rel @p5 .LBB2_2-.Ltmp0, $4  }
0x5b: {  	[spmem:s1] =	stream.indirect.scatter.add.f32 [tilespmem:s24], [sflag:$0x3], $0x80, s9, s23, $0xb8;
	[tilespmem:$0x1E080] =	vst v63  }
0x5c: {  	_ =	swait.ge [sflag:s30], $0x4000  }
0x5d: {  	[sflag:s30] =	ssyncset.done $0x0  }
0x5e: {  	s8 =	sadd.s32 $0x1480, s8;
	[sflag:s30] =	ssyncadd.s32 $0xFFFFC000  }
0x5f: {  	[tilespmem:s26], [sflag:$0x2] =	stream.indirect.gather [hbm4b:s4+s23], $0x80, s8, s23, $0xb8;
	[tilespmem:$0x1E080] =	vst v63  }
0x60: {  	_ =	swait.ge [sflag:s28], $0x4000  }
0x61: {  	[sflag:s28] =	ssyncset.done $0x0  }
0x62: {  	[sflag:s28] =	ssyncadd.s32 $0xFFFFC000  }
0x63: {  	[spmem:s1] =	stream.indirect.scatter.add.f32 [tilespmem:s26], [sflag:$0x4], $0x80, s31, s23, $0xb8;
	[tilespmem:$0x1E080] =	vst v63  }
0x64: {  	_ =	swait.ge [sflag:s29], $0x4000  }
0x65: {  	[sflag:s29] =	ssyncset.done $0x0  }
0x66: {  	[sflag:s29] =	ssyncadd.s32 $0xFFFFC000  }
0x67: {  	_ =	swait.ge [sflag:s30], $0x4000  }
0x68: {  	[sflag:s30] =	ssyncset.done $0x0  }
0x69: {  	[sflag:s30] =	ssyncadd.s32 $0xFFFFC000  }
0x6a: {  	[tilespmem:s3], [sflag:$0x5] =	stream.linear.gather [hbm4b:s13+s3], $0x1400, $0x38;
	[tilespmem:$0x1E080] =	vst v63  }
0x6b: {  	_ =	swait.ge [sflag:s21], $0x1400  }
0x6c: {  	[sflag:s21] =	ssyncset.done $0x0  }
0x6d: {  	[sflag:s21] =	ssyncadd.s32 $0xFFFFEC00  }
0x6e: {  	[tilespmem:s22], [sflag:$0x5] =	stream.linear.gather [hbm4b:s14+s3], $0x1400, $0x38;
	[tilespmem:$0x1E080] =	vst v63  }
0x6f: {  	_ =	swait.ge [sflag:s21], $0x1400  }
0x70: {  	[sflag:s21] =	ssyncset.done $0x0  }
0x71: {  	[sflag:s21] =	ssyncadd.s32 $0xFFFFEC00  }
0x72: {  	[tilespmem:s24], [sflag:$0x1] =	stream.indirect.gather [hbm4b:s4+s23], $0x80, s3, s23, $0xb8;
	[tilespmem:$0x1E080] =	vst v63  }
0x73: {  	_ =	swait.ge [sflag:s25], $0x4000  }
0x74: {  	[sflag:s25] =	ssyncset.done $0x0  }
0x75: {  	[sflag:s25] =	ssyncadd.s32 $0xFFFFC000  }
0x76: {  	[spmem:s1] =	stream.indirect.scatter.add.f32 [tilespmem:s24], [sflag:$0x3], $0x80, s22, s23, $0xb8;
	[tilespmem:$0x1E080] =	vst v63  }
0x77: {  	_ = 	snop  }
0x78: {  	[tilespmem:s26], [sflag:$0x2] =	stream.indirect.gather [hbm4b:s4+s23], $0x80, s23, s23, $0xb8;
	[tilespmem:$0x1E080] =	vst v63  }
0x79: {  	_ =	swait.ge [sflag:s28], $0x4000  }
0x7a: {  	[sflag:s28] =	ssyncset.done $0x0  }
0x7b: {  	s6 =	simm.s32 $0x1480;
	[sflag:s28] =	ssyncadd.s32 $0xFFFFC000  }
0x7c: {  	[spmem:s1] =	stream.indirect.scatter.add.f32 [tilespmem:s26], [sflag:$0x4], $0x80, s6, s23, $0xb8;
	[tilespmem:$0x1E080] =	vst v63  }
0x7d: {  	_ =	swait.ge [sflag:s29], $0x4000  }
0x7e: {  	[sflag:s29] =	ssyncset.done $0x0  }
0x7f: {  	s8 =	simm.s32 $0x100;
	[sflag:s29] =	ssyncadd.s32 $0xFFFFC000  }
0x80: {  	[tilespmem:s24], [sflag:$0x1] =	stream.indirect.gather [hbm4b:s4+s23], $0x80, s8, s23, $0xb8;
	[tilespmem:$0x1E080] =	vst v63  }
0x81: {  	_ =	swait.ge [sflag:s25], $0x4000  }
0x82: {  	[sflag:s25] =	ssyncset.done $0x0  }
0x83: {  	s9 =	simm.s32 $0x1500;
	[sflag:s25] =	ssyncadd.s32 $0xFFFFC000  }
0x84: {  	[spmem:s1] =	stream.indirect.scatter.add.f32 [tilespmem:s24], [sflag:$0x3], $0x80, s9, s23, $0xb8;
	[tilespmem:$0x1E080] =	vst v63  }
0x85: {  	_ =	swait.ge [sflag:s30], $0x4000  }
0x86: {  	[sflag:s30] =	ssyncset.done $0x0  }
0x87: {  	s6 =	simm.s32 $0xFFFFB800;
	s8 =	simm.s32 $0x180;
	[sflag:s30] =	ssyncadd.s32 $0xFFFFC000  }
.LBB2_4:
0x88: {  	[tilespmem:s26], [sflag:$0x2] =	stream.indirect.gather [hbm4b:s4+s23], $0x80, s8, s23, $0xb8;
	[tilespmem:$0x1E080] =	vst v63  }
0x89: {  	s8 =	smov.u32 s6  }
0x8a: {  	p5 =	sne.s32 s6, $0xFFFFFC00;
	s6 =	sadd.s32 $0x400, s6;
	_ =	swait.ge [sflag:s28], $0x4000  }
0x8b: {  	s8 =	sshra.s32 s8, $0x2;
	[sflag:s28] =	ssyncset.done $0x0  }
0x8c: {  	s9 =	sadd.s32 $0x2780, s8;
	[sflag:s28] =	ssyncadd.s32 $0xFFFFC000  }
0x8d: {  	[spmem:s1] =	stream.indirect.scatter.add.f32 [tilespmem:s26], [sflag:$0x4], $0x80, s9, s23, $0xb8;
	[tilespmem:$0x1E080] =	vst v63  }
0x8e: {  	_ =	swait.ge [sflag:s29], $0x4000  }
0x8f: {  	[sflag:s29] =	ssyncset.done $0x0  }
0x90: {  	s9 =	sadd.s32 $0x1400, s8;
	[sflag:s29] =	ssyncadd.s32 $0xFFFFC000  }
0x91: {  	[tilespmem:s24], [sflag:$0x1] =	stream.indirect.gather [hbm4b:s4+s23], $0x80, s9, s23, $0xb8;
	[tilespmem:$0x1E080] =	vst v63  }
0x92: {  	_ =	swait.ge [sflag:s25], $0x4000  }
0x93: {  	[sflag:s25] =	ssyncset.done $0x0  }
.Ltmp1:
0x94: {  	s9 =	sadd.s32 $0x2800, s8;
	[sflag:s25] =	ssyncadd.s32 $0xFFFFC000;
	(pc) =	sbr.rel @p5 .LBB2_4-.Ltmp1, $4  }
0x95: {  	[spmem:s1] =	stream.indirect.scatter.add.f32 [tilespmem:s24], [sflag:$0x3], $0x80, s9, s23, $0xb8;
	[tilespmem:$0x1E080] =	vst v63  }
0x96: {  	_ =	swait.ge [sflag:s30], $0x4000  }
0x97: {  	[sflag:s30] =	ssyncset.done $0x0  }
0x98: {  	s8 =	sadd.s32 $0x1480, s8;
	[sflag:s30] =	ssyncadd.s32 $0xFFFFC000  }
0x99: {  	[tilespmem:s26], [sflag:$0x2] =	stream.indirect.gather [hbm4b:s4+s23], $0x80, s8, s23, $0xb8;
	[tilespmem:$0x1E080] =	vst v63  }
0x9a: {  	_ =	swait.ge [sflag:s28], $0x4000  }
0x9b: {  	[sflag:s28] =	ssyncset.done $0x0  }
0x9c: {  	[sflag:s28] =	ssyncadd.s32 $0xFFFFC000  }
0x9d: {  	[spmem:s1] =	stream.indirect.scatter.add.f32 [tilespmem:s26], [sflag:$0x4], $0x80, s31, s23, $0xb8;
	[tilespmem:$0x1E080] =	vst v63  }
0x9e: {  	_ =	swait.ge [sflag:s29], $0x4000  }
0x9f: {  	[sflag:s29] =	ssyncset.done $0x0  }
0xa0: {  	[sflag:s29] =	ssyncadd.s32 $0xFFFFC000  }
0xa1: {  	_ =	swait.ge [sflag:s30], $0x4000  }
0xa2: {  	[sflag:s30] =	ssyncset.done $0x0  }
0xa3: {  	[sflag:s30] =	ssyncadd.s32 $0xFFFFC000  }
0xa4: {  	s6 =	sshrl.u32 @p4 s7, $0x3;
	s8 =	simm.s32 @p4 $0x1FC5;
	[bflag:$0x0] =	sbarrier.arrive $0xFFFF  }
0xa5: {  	[hbm:s16], [sflag:s8] =	dma.local @p4 [spmem:s6], $0x2800  }
0xa6: {  	s6 =	simm.s32 @p4 $0x5  }
0xa7: {  	s0 =	sadd.s32 $0x1, s0;
	_ =	swait.ge @p4 [sflag:s6], $0x2800  }
0xa8: {  	p5 =	sne.s32 s0, s17;
	s8 =	sshll.u32 @!p4 s2, $0x6;
	[sflag:s6] =	ssyncset.done @p4 $0x0  }
0xa9: {  	[sflag:s6] =	ssyncadd.s32 @p4 $0xFFFFD800;
	s6 =	sor.u32 @!p4 $0x1C05, s8;
	s8 =	sshrl.u32 @!p4 s5, $0x3  }
0xaa: {  	[hbm:s15], [sflag:s6] =	dma.local @!p4 [spmem:s8], $0x2700  }
.Ltmp2:
0xab: {  	_ = 	snop;
	(pc) =	sbr.rel @p5 .LBB2_1-.Ltmp2, $4  }
0xac: {  	s6 =	simm.s32 @!p4 $0x5  }
0xad: {  	_ =	swait.ge @!p4 [sflag:s6], $0x2700  }
0xae: {  	[sflag:s6] =	ssyncset.done @!p4 $0x0  }
0xaf: {  	[sflag:s6] =	ssyncadd.s32 @!p4 $0xFFFFD900  }
0xb0: {  	_ =	sfence.sel $0x180000  }
0xb1: {  	[bflag:$0x0] =	sbarrier.arrive $0xFFFF  }
0xb2: {  	_ =	strace $0x90000047  }
0xb3: {  	[bflag:$0x2] =	sbarrier.arrive $0xFFFF  }
0xb4: {  	p0 =	sne.s32 s2, $0x0;
	s0 =	rddreg [dreg:$0x3]  }
0xb5: {  	s0 =	sadd.s32 @!p0 $0x100000, s0  }
0xb6: {  	[sflag:s0] =	ssyncadd.tile.s32 @!p0 $0x1;
	_ =	shalt  }
.Lfunc_end2:
_tile_overlayer_lowered:
.L_overlay_start_2:
0xb7: {  	(tag) =	ssettag $0x2  }
0xb8: {  	s0 =	rddreg [dreg:$0x0];
	s2 =	stileid.u32  }
0xb9: {  	s1 =	rddreg [dreg:$0x1];
	p0 =	sne.s32 s2, $0x0  }
0xba: {  	s3 =	rddreg [dreg:$0x2];
	[bflag:$0x3] =	sbarrier.arrive $0xFFFF;
	s2 =	simm.s32 @!p0 $0x1C05  }
0xbb: {  	[timem:s3], [sflag:s2] =	dma.local @!p0 [hbm:s0], s1  }
0xbc: {  	s0 =	simm.s32 @!p0 $0x5  }
0xbd: {  	_ =	swait.ge @!p0 [sflag:s0], s1  }
0xbe: {  	s1 =	ssub.s32 @!p0 $0x0, s1;
	[sflag:s0] =	ssyncset.done @!p0 $0x0  }
0xbf: {  	[sflag:s0] =	ssyncadd.s32 @!p0 s1  }
0xc0: {  	[bflag:$0x3] =	sbarrier.arrive $0xFFFF  }
0xc1: {  	_ =	shalt  }

// kernel: kernel.9.cloned.1.call-start
scs
__scs_entry_jumppad:
0x0: {  	(pc) =	sbr.rel $0x88, $3  }
0x1: {  	(tag) =	ssettag $0x0;
	lr =	simm.s32 $0x1  }
0x2: {  	[smem:$0x3F92] =	sst lr;
	_ =	strace $0xD0000000  }
0x3: {  	_ = 	snop  }
0x4: {  	_ = 	snop  }
0x5: {  	_ = 	snop  }
0x6: {  	_ = 	snop  }
0x7: {  	_ = 	snop  }
__scs_overlays_trampoline_lowered:
0x8: {  	[smem:$0x3FA1] =	sst s0  }
0x9: {  	[smem:$0x3FA2] =	sst s1  }
0xa: {  	[smem:$0x3FA3] =	sst s2  }
0xb: {  	[smem:$0x3FA4] =	sst s3  }
0xc: {  	[smem:$0x3FA5] =	sst s4  }
0xd: {  	[smem:$0x3FA6] =	sst s5  }
0xe: {  	[smem:$0x3FA7] =	sst s6  }
0xf: {  	[smem:$0x3FA8] =	sst s7  }
0x10: {  	[smem:$0x3FA9] =	sst s8  }
0x11: {  	[smem:$0x3FAA] =	sst s9;
	s0 =	simm.s32 @!p0 $0x0  }
0x12: {  	s1 =	sld [smem:$0x3F90];
	s0 =	simm.s32 @p0 $0x1  }
0x13: {  	[smem:$0x3FAB] =	sst s0;
	s0 =	simm.s32 @!p1 $0x0  }
0x14: {  	s2 =	sld [smem:$0x3F8F];
	s0 =	simm.s32 @p1 $0x1  }
0x15: {  	[smem:$0x3FAC] =	sst s0;
	s0 =	simm.s32 @!p2 $0x0  }
0x16: {  	s3 =	sld [smem:$0x3FDB];
	s0 =	simm.s32 @p2 $0x1  }
0x17: {  	s4 =	simm.s32 $0x1BF5;
	[smem:$0x3FAE] =	sst s0  }
0x18: {  	s0 =	sld [smem:$0x3F91];
	_ =	swait.ge [sflag:s4], $0x0  }
0x19: {  	s7 =	sld [smem:$0x3F92]  }
0x1a: {  	s8 =	sadd.s32 $0xFFFFE003, lr  }
0x1b: {  	s9 =	sadd.s32 $0xFFFFFEF7, lr;
	s5 =	simm.s32 $0xFFFFFFFF;
	p2 =	slt.u32 s8, $0xFFFFF086  }
0x1c: {  	p1 =	slt.u32 s9, $0xF7A;
	s5 =	simm.s32 @!p2 $0x0  }
0x1d: {  	s5 =	simm.s32 @p1 $0x1;
	p0 =	seq.s32 s7, s2  }
0x1e: {  	s7 =	smul.u32 @!p0 $0xF7A, s2;
	p2 =	seq.s32 @!p0 s5, $0x0  }
0x1f: {  	s9 =	smul.u32 $0xF7A, s1;
	s8 =	simm.s32 @!p0 $0x1BF5;
	p2 =	por !p2, p0  }
0x20: {  	[sflag:s8] =	ssyncset.s32 @!p0 $0xFFFFF086;
	s6 =	sadd.s32 @!p0 s3, s7;
	s7 =	simm.s32 @!p0 $0x108  }
0x21: {  	s3 =	sadd.s32 s3, s9;
	s6 =	sadd.s32 @!p0 $0x88, s6;
	s7 =	simm.s32 @p2 $0x1082  }
0x22: {  	[simem:s7], [sflag:s8] =	dma.local @!p0 [hbm:s6], $0xF7A  }
0x23: {  	s9 =	sor.u32 $0xD0000000, s2;
	s6 =	simm.s32 $0x108;
	_ =	swait.ge @!p0 [sflag:s8], $0x0  }
0x24: {  	s3 =	sadd.s32 $0x88, s3;
	s6 =	simm.s32 @!p1 $0x1082;
	[sflag:s4] =	ssyncset.s32 $0xFFFFF086  }
0x25: {  	[simem:s6], [sflag:s4] =	dma.local [hbm:s3], $0xF7A  }
0x26: {  	[smem:$0x3F92] =	sst s1;
	(tag) =	ssettag s2;
	_ =	strace s9  }
0x27: {  	s1 =	sld [smem:$0x3FA2]  }
0x28: {  	s2 =	sld [smem:$0x3FA3]  }
0x29: {  	s4 =	sld [smem:$0x3FA5]  }
0x2a: {  	p0 =	seq.s32 s5, $0x0;
	s5 =	sld [smem:$0x3FA6]  }
0x2b: {  	s6 =	sld [smem:$0x3FA7]  }
0x2c: {  	s7 =	sld [smem:$0x3FA8]  }
0x2d: {  	s3 =	simm.s32 $0x108;
	s8 =	sld [smem:$0x3FA9]  }
0x2e: {  	s3 =	simm.s32 @!p0 $0x1082;
	s9 =	sld [smem:$0x3FAA]  }
0x2f: {  	lr =	sadd.s32 s0, s3;
	s0 =	sld [smem:$0x3FA1]  }
0x30: {  	s3 =	sld [smem:$0x3FA4]  }
0x31: {  	[smem:$0x3FAD] =	sst s10  }
0x32: {  	s10 =	sld [smem:$0x3FAB];
	_ =	sdelay $0x3  }
0x33: {  	p0 =	seq.s32 s10, $0x1;
	s10 =	sld [smem:$0x3FAD];
	_ =	sdelay $0x3  }
0x34: {  	[smem:$0x3FAD] =	sst s10  }
0x35: {  	s10 =	sld [smem:$0x3FAC];
	_ =	sdelay $0x3  }
0x36: {  	p1 =	seq.s32 s10, $0x1;
	s10 =	sld [smem:$0x3FAD];
	_ =	sdelay $0x3  }
0x37: {  	[smem:$0x3FAD] =	sst s10  }
0x38: {  	s10 =	sld [smem:$0x3FAE]  }
0x39: {  	_ = 	snop;
	(pc) =	sbr.ind lr, $3  }
0x3a: {  	_ = 	snop  }
0x3b: {  	_ = 	snop  }
0x3c: {  	p2 =	seq.s32 s10, $0x1;
	s10 =	sld [smem:$0x3FAD]  }
0x3d: {  	_ =	shalt  }
0x3e: {  	_ =	shalt  }
0x3f: {  	_ =	shalt  }
0x40: {  	_ =	shalt  }
0x41: {  	_ =	shalt  }
0x42: {  	_ =	shalt  }
0x43: {  	_ =	shalt  }
0x44: {  	_ =	shalt  }
0x45: {  	_ =	shalt  }
0x46: {  	_ =	shalt  }
0x47: {  	_ =	shalt  }
0x48: {  	_ =	shalt  }
0x49: {  	_ =	shalt  }
0x4a: {  	_ =	shalt  }
0x4b: {  	_ =	shalt  }
0x4c: {  	_ =	shalt  }
0x4d: {  	_ =	shalt  }
0x4e: {  	_ =	shalt  }
0x4f: {  	_ =	shalt  }
0x50: {  	_ =	shalt  }
0x51: {  	_ =	shalt  }
0x52: {  	_ =	shalt  }
0x53: {  	_ =	shalt  }
0x54: {  	_ =	shalt  }
0x55: {  	_ =	shalt  }
0x56: {  	_ =	shalt  }
0x57: {  	_ =	shalt  }
0x58: {  	_ =	shalt  }
0x59: {  	_ =	shalt  }
0x5a: {  	_ =	shalt  }
0x5b: {  	_ =	shalt  }
0x5c: {  	_ =	shalt  }
0x5d: {  	_ =	shalt  }
0x5e: {  	_ =	shalt  }
0x5f: {  	_ =	shalt  }
0x60: {  	_ =	shalt  }
0x61: {  	_ =	shalt  }
0x62: {  	_ =	shalt  }
0x63: {  	_ =	shalt  }
0x64: {  	_ =	shalt  }
0x65: {  	_ =	shalt  }
0x66: {  	_ =	shalt  }
0x67: {  	_ =	shalt  }
0x68: {  	_ =	shalt  }
0x69: {  	_ =	shalt  }
0x6a: {  	_ =	shalt  }
0x6b: {  	_ =	shalt  }
0x6c: {  	_ =	shalt  }
0x6d: {  	_ =	shalt  }
0x6e: {  	_ =	shalt  }
0x6f: {  	_ =	shalt  }
0x70: {  	_ =	shalt  }
0x71: {  	_ =	shalt  }
0x72: {  	_ =	shalt  }
0x73: {  	_ =	shalt  }
0x74: {  	_ =	shalt  }
0x75: {  	_ =	shalt  }
0x76: {  	_ =	shalt  }
0x77: {  	_ =	shalt  }
0x78: {  	_ =	shalt  }
0x79: {  	_ =	shalt  }
0x7a: {  	_ =	shalt  }
0x7b: {  	_ =	shalt  }
0x7c: {  	_ =	shalt  }
0x7d: {  	_ =	shalt  }
0x7e: {  	_ =	shalt  }
0x7f: {  	_ =	shalt  }
0x80: {  	_ =	shalt  }
0x81: {  	_ =	shalt  }
0x82: {  	_ =	shalt  }
0x83: {  	_ =	shalt  }
0x84: {  	_ =	shalt  }
0x85: {  	_ =	shalt  }
0x86: {  	_ =	shalt  }
0x87: {  	_ =	shalt  }
.Lfunc_end0:
.L_simem_size_0:
called_computation.1_lowered:
.L_overlay_start_0:
0x88: {  	s2 =	sld [smem:$0x3FD9]  }
0x89: {  	s3 =	sld [smem:$0x3FFE];
	_ =	sdelay $0x1  }
0x8a: {  	s1 =	srdreg.scid  }
0x8b: {  	s0 =	sand.u32 $0x1, s1  }
0x8c: {  	s14 =	sshll.u32 s0, $0xA;
	s2 =	sadd.s32 s3, s2  }
0x8d: {  	s2 =	sadd.s32 s2, s14  }
0x8e: {  	[smem:$0x3FB9] =	sst s2  }
0x8f: {  	_ = 	snop  }
0x90: {  	s2 =	sld [smem:$0x3FD0];
	_ =	sdelay $0x2  }
0x91: {  	s15 =	simm.s32 $0xA;
	s4 =	simm.s32 $0x10  }
0x92: {  	[smem:s4], [sflag:s15] =	dma.local [hbm:s2], $0x1  }
0x93: {  	_ =	swait.eq [sflag:s15], $0x1  }
0x94: {  	[sflag:s15] =	ssyncset.done $0x0  }
0x95: {  	[sflag:s15] =	ssyncadd.s32 $0xFFFFFFFF  }
0x96: {  	s16 =	sld [smem:$0x10];
	(tm) =	ssettm $0x1  }
0x97: {  	s17 =	sld [smem:$0x3FFB];
	_ =	sdelay $0x3  }
0x98: {  	_ =	strace s17  }
0x99: {  	s3 =	sld [smem:$0x3FFC];
	_ =	sdelay $0x3  }
0x9a: {  	_ =	strace s3  }
0x9b: {  	s3 =	sld [smem:$0x3FFD];
	_ =	sdelay $0x3  }
0x9c: {  	_ =	strace s3  }
0x9d: {  	_ =	strace $0x8FFFFFFF  }
0x9e: {  	s18 =	sld [smem:$0x3FDB];
	_ =	sdelay $0x1  }
0x9f: {  	s19 =	simm.s32 $_scs_section_size  }
0xa0: {  	s5 =	simm.s32 $_size__tile_overlayer_lowered;
	s6 =	simm.s32 $_tile_overlayer_lowered  }
0xa1: {  	s22 =	simm.s32 $0x1BFF;
	s21 =	sshll.u32 s6, $0x1;
	s3 =	sadd.s32 s19, s18  }
0xa2: {  	s7 =	simm.s32 $0x0;
	s20 =	sshll.u32 s5, $0x1;
	s5 =	sadd.s32 s21, s3  }
0xa3: {  	[timem:s7], [sflag:s22] =	dma.local [hbm:s5], s20  }
0xa4: {  	_ =	swait.ge [sflag:s22], s20  }
0xa5: {  	s4 =	ssub.s32 $0x0, s20;
	[sflag:s22] =	ssyncset.done $0x0  }
0xa6: {  	[sflag:s22] =	ssyncadd.s32 s4;
	_ =	sdelay $0x1  }
0xa7: {  	s23 =	simm.s32 $0x1B8B  }
0xa8: {  	_ =	swait.ge [sflag:s23], $0x1  }
0xa9: {  	[sflag:s23] =	ssyncset.done $0x0  }
0xaa: {  	s25 =	simm.s32 $0x1B8E;
	s24 =	sld [smem:$0x3FFE];
	[sflag:s23] =	ssyncadd.s32 $0xFFFFFFFF  }
0xab: {  	s26 =	simm.s32 $execute0_lowered;
	[smem:$0x3FD2] =	sst s25  }
0xac: {  	s5 =	sshll.u32 s26, $0x1;
	_ =	strace $0x80000049;
	[dreg:$0x1] =	wrdreg $0xFFFFFFFF  }
0xad: {  	s28 =	simm.s32 $_size_execute0_lowered;
	s3 =	sadd.s32 s3, s5;
	[dreg:$0x0] =	wrdreg $0x0  }
0xae: {  	s5 =	sshll.u32 s28, $0x1;
	[dreg:$0x2] =	wrdreg s3  }
0xaf: {  	[dreg:$0x3] =	wrdreg s5  }
0xb0: {  	[dreg:$0x4] =	wrdreg $0xC0  }
0xb1: {  	_ =	task [dreg:s7], $0x5FFFF  }
0xb2: {  	[dreg:$0x1] =	wrdreg $0xFFFFFFFF  }
0xb3: {  	[dreg:$0x0] =	wrdreg $0x60  }
0xb4: {  	[dreg:$0x2] =	wrdreg s24  }
0xb5: {  	[dreg:$0x3] =	wrdreg s16  }
0xb6: {  	[dreg:$0x4] =	wrdreg $0xA8000  }
0xb7: {  	[dreg:$0x5] =	wrdreg $0x9  }
0xb8: {  	_ =	task.clear_ibuf [dreg:s7], $0x6FFFF;
	_ =	strace $0x90000049  }
0xb9: {  	s29 =	simm.s32 $0x9;
	_ =	strace $0x8000004B  }
0xba: {  	_ =	swait.ge [sflag:s29], $0x1  }
0xbb: {  	[sflag:s29] =	ssyncadd.s32 $0xFFFFFFFF  }
0xbc: {  	_ =	strace $0x9000004B  }
0xbd: {  	_ =	sfence  }
0xbe: {  	s30 =	sld [smem:$0x0];
	_ =	sdelay $0x2  }
0xbf: {  	s31 =	sshll.u32 s1, $0xD;
	s1 =	sshrl.u32 s1, $0x2  }
0xc0: {  	s3 =	sand.u32 $0x4000, s31;
	s1 =	sadd.s32 s1, s30  }
0xc1: {  	s0 =	sor.u32 s3, s0;
	s1 =	sshll.u32 s1, $0x11  }
0xc2: {  	s0 =	sor.u32 s1, s0  }
0xc3: {  	s0 =	sadd.s32 $0x8F2B, s0  }
0xc4: {  	[sflag:s0] =	ssyncadd.remote.s32 $0x1  }
0xc5: {  	_ =	sfence.sel $0xFFFF  }
0xc6: {  	[dreg:$0x0] =	wrdreg $0xFFFFFFFF;
	(pc) =	sbr.abs _section_cstart, $3  }
0xc7: {  	[dreg:$0x1] =	wrdreg $0xFFFFFFFF  }
0xc8: {  	_ =	task.clear_ibuf [dreg:s7], $0x2FFFF;
	_ =	strace $0x9FFFFFFF  }
0xc9: {  	(tm) =	ssettm $0x7FFFFFFF  }
tec
execute0_lowered:
.L_overlay_start_1:
0x0: {  	(tag) =	ssettag $0x1  }
0x1: {  	s0 =	rddreg [dreg:$0x0]  }
0x2: {  	s6 =	rddreg [dreg:$0x1]  }
0x3: {  	s1 =	rddreg [dreg:$0x2]  }
0x4: {  	s3 =	simm.s32 $0x0;
	s2 =	stileid.u32;
	s5 =	srdreg.scid  }
0x5: {  	s28 =	simm.s32 $0x2;
	s29 =	simm.s32 $0x3;
	s30 =	simm.s32 $0x4  }
0x6: {  	s31 =	simm.s32 $0x2780;
	[smem:$0x7FF] =	sst s3;
	s4 =	sadd.s32 $0x2E00, s0  }
0x7: {  	s8 =	sadd.s32 $0x2A000, s0;
	s9 =	smul.u32 $0x2700, s2;
	s15 =	sand.u32 $0x1, s5  }
0x8: {  	s14 =	sadd.s32 $0x34000, s0;
	s7 =	smul.u32 $0x4E000, s2;
	s23 =	sadd.s32 $0x62900, s0  }
0x9: {  	s19 =	smul.u32 $0x13800, s2;
	_ =	strace $0x8000004A;
	s5 =	ssub.s32 $0x2, s15  }
0xa: {  	s12 =	sshll.u32 s15, $0x4;
	[dreg:$0x5] =	wrdreg s23;
	s16 =	smul.u32 $0x138800, s15  }
0xb: {  	p3 =	sne.s32 s15, $0x0;
	s23 =	simm.s32 $0x80;
	s10 =	sadd.s32 s9, s0  }
0xc: {  	s11 =	sshrl.u32 s5, $0x1;
	s20 =	sor.u32 s2, s12;
	s21 =	sshrl.u32 s7, $0x2  }
0xd: {  	s7 =	sadd.s32 $0x124800, s1;
	s9 =	sadd.s32 s4, s9;
	p1 =	seq.s32 @p3 s2, $0xF  }
0xe: {  	p4 =	seq.s32 @!p3 s2, $0xF;
	s17 =	ssub.s32 s5, s11;
	s5 =	sadd.s32 s21, s1  }
0xf: {  	s22 =	sadd.s32 $0x3E000, s10;
	s11 =	smul.u32 $0x2800, s20;
	[dreg:$0x6] =	wrdreg s9  }
0x10: {  	s10 =	sadd.s32 $0x27700, s0;
	s25 =	sadd.s32 s19, s16;
	s26 =	sshrl.u32 s16, $0x3  }
0x11: {  	p0 =	por p1, !p3;
	p1 =	por !p1, !p3;
	p2 =	por !p4, p3  }
0x12: {  	p3 =	por p4, p3;
	s21 =	simm.s32 $0x5;
	p4 =	seq.s32 s2, $0xF  }
0x13: {  	[dreg:$0x4] =	wrdreg s22;
	s0 =	sshrl.u32 s25, $0x3;
	s17 =	smax.u32 s17, $0x1  }
0x14: {  	s20 =	sshrl.u32 @!p0 s5, $0x3;
	s22 =	simm.s32 $0x1400;
	s25 =	simm.s32 $0x1  }
0x15: {  	s24 =	sshrl.u32 s11, $0x3;
	s15 =	sadd.s32 s6, s0;
	s0 =	sshll.u32 @!p0 s2, $0x6  }
0x16: {  	s11 =	sadd.s32 s8, s24;
	s18 =	sadd.s32 $0x280, s24;
	s12 =	sadd.s32 s14, s24  }
0x17: {  	s19 =	sor.u32 @!p0 $0x1C05, s0;
	s24 =	simm.s32 $0x2800;
	s0 =	simm.s32 $0x0  }
0x18: {  	s13 =	sadd.s32 s8, s18;
	s14 =	sadd.s32 s14, s18;
	s8 =	sadd.s32 s6, s26  }
0x19: {  	s18 =	sshrl.u32 @!p1 s7, $0x3;
	s26 =	simm.s32 $0x6800;
	s16 =	sadd.s32 $0x24900, s8  }
.LBB2_1:
0x1a: {  	s6 =	simm.s32 @!p1 $0x1FC5;
	s8 =	rddreg [dreg:$0x5]  }
0x1b: {  	[spmem:s18], [sflag:s6] =	dma.local @!p1 [hbm:s8], $0x2800  }
0x1c: {  	s6 =	simm.s32 @!p1 $0x5  }
0x1d: {  	_ =	swait.ge @!p1 [sflag:s6], $0x2800  }
0x1e: {  	[sflag:s6] =	ssyncset.done @!p1 $0x0  }
0x1f: {  	[sflag:s6] =	ssyncadd.s32 @!p1 $0xFFFFD800;
	s6 =	rddreg [dreg:$0x4]  }
0x20: {  	[spmem:s20], [sflag:s19] =	dma.local @!p0 [hbm:s6], $0x2700  }
0x21: {  	s6 =	simm.s32 @!p0 $0x5  }
0x22: {  	_ =	swait.ge @!p0 [sflag:s6], $0x2700  }
0x23: {  	[sflag:s6] =	ssyncset.done @!p0 $0x0  }
0x24: {  	s8 =	simm.s32 @!p2 $0x1FC5;
	[sflag:s6] =	ssyncadd.s32 @!p0 $0xFFFFD900;
	s6 =	sshrl.u32 @!p2 s7, $0x3  }
0x25: {  	[spmem:s6], [sflag:s8] =	dma.local @!p2 [hbm:s10], $0x2800  }
0x26: {  	s6 =	simm.s32 @!p2 $0x5  }
0x27: {  	_ =	swait.ge @!p2 [sflag:s6], $0x2800  }
0x28: {  	s8 =	sshll.u32 @!p3 s2, $0x6;
	[sflag:s6] =	ssyncset.done @!p2 $0x0;
	s9 =	rddreg [dreg:$0x6]  }
0x29: {  	[sflag:s6] =	ssyncadd.s32 @!p2 $0xFFFFD800;
	s6 =	sor.u32 @!p3 $0x1C05, s8;
	s8 =	sshrl.u32 @!p3 s5, $0x3  }
0x2a: {  	[spmem:s8], [sflag:s6] =	dma.local @!p3 [hbm:s9], $0x2700  }
0x2b: {  	s6 =	simm.s32 @!p3 $0x5  }
0x2c: {  	_ =	swait.ge @!p3 [sflag:s6], $0x2700  }
0x2d: {  	[sflag:s6] =	ssyncset.done @!p3 $0x0  }
0x2e: {  	[sflag:s6] =	ssyncadd.s32 @!p3 $0xFFFFD900  }
0x2f: {  	[bflag:$0x0] =	sbarrier.arrive $0xFFFF  }
0x30: {  	[tilespmem:s3], [sflag:$0x5] =	stream.linear.gather [hbm4b:s11+s3], $0x1400, $0x38;
	[tilespmem:$0x1E080] =	vst v63  }
0x31: {  	_ =	swait.ge [sflag:s21], $0x1400  }
0x32: {  	[sflag:s21] =	ssyncset.done $0x0  }
0x33: {  	[sflag:s21] =	ssyncadd.s32 $0xFFFFEC00  }
0x34: {  	[tilespmem:s22], [sflag:$0x5] =	stream.linear.gather [hbm4b:s12+s3], $0x1400, $0x38;
	[tilespmem:$0x1E080] =	vst v63  }
0x35: {  	_ =	swait.ge [sflag:s21], $0x1400  }
0x36: {  	[sflag:s21] =	ssyncset.done $0x0  }
0x37: {  	[sflag:s21] =	ssyncadd.s32 $0xFFFFEC00  }
0x38: {  	[tilespmem:s24], [sflag:$0x1] =	stream.indirect.gather [hbm4b:s4+s23], $0x80, s3, s23, $0xb8;
	[tilespmem:$0x1E080] =	vst v63  }
0x39: {  	_ =	swait.ge [sflag:s25], $0x4000  }
0x3a: {  	[sflag:s25] =	ssyncset.done $0x0  }
0x3b: {  	[sflag:s25] =	ssyncadd.s32 $0xFFFFC000  }
0x3c: {  	[spmem:s1] =	stream.indirect.scatter.add.f32 [tilespmem:s24], [sflag:$0x3], $0x80, s22, s23, $0xb8;
	[tilespmem:$0x1E080] =	vst v63  }
0x3d: {  	_ = 	snop  }
0x3e: {  	[tilespmem:s26], [sflag:$0x2] =	stream.indirect.gather [hbm4b:s4+s23], $0x80, s23, s23, $0xb8;
	[tilespmem:$0x1E080] =	vst v63  }
0x3f: {  	_ =	swait.ge [sflag:s28], $0x4000  }
0x40: {  	[sflag:s28] =	ssyncset.done $0x0  }
0x41: {  	s9 =	simm.s32 $0x1480;
	[sflag:s28] =	ssyncadd.s32 $0xFFFFC000  }
0x42: {  	[spmem:s1] =	stream.indirect.scatter.add.f32 [tilespmem:s26], [sflag:$0x4], $0x80, s9, s23, $0xb8;
	[tilespmem:$0x1E080] =	vst v63  }
0x43: {  	_ =	swait.ge [sflag:s29], $0x4000  }
0x44: {  	[sflag:s29] =	ssyncset.done $0x0  }
0x45: {  	s8 =	simm.s32 $0x100;
	[sflag:s29] =	ssyncadd.s32 $0xFFFFC000  }
0x46: {  	[tilespmem:s24], [sflag:$0x1] =	stream.indirect.gather [hbm4b:s4+s23], $0x80, s8, s23, $0xb8;
	[tilespmem:$0x1E080] =	vst v63  }
0x47: {  	_ =	swait.ge [sflag:s25], $0x4000  }
0x48: {  	[sflag:s25] =	ssyncset.done $0x0  }
0x49: {  	s9 =	simm.s32 $0x1500;
	[sflag:s25] =	ssyncadd.s32 $0xFFFFC000  }
0x4a: {  	[spmem:s1] =	stream.indirect.scatter.add.f32 [tilespmem:s24], [sflag:$0x3], $0x80, s9, s23, $0xb8;
	[tilespmem:$0x1E080] =	vst v63  }
0x4b: {  	_ =	swait.ge [sflag:s30], $0x4000  }
0x4c: {  	[sflag:s30] =	ssyncset.done $0x0  }
0x4d: {  	s6 =	simm.s32 $0xFFFFB800;
	s8 =	simm.s32 $0x180;
	[sflag:s30] =	ssyncadd.s32 $0xFFFFC000  }
.LBB2_2:
0x4e: {  	[tilespmem:s26], [sflag:$0x2] =	stream.indirect.gather [hbm4b:s4+s23], $0x80, s8, s23, $0xb8;
	[tilespmem:$0x1E080] =	vst v63  }
0x4f: {  	s8 =	smov.u32 s6  }
0x50: {  	p5 =	sne.s32 s6, $0xFFFFFC00;
	s6 =	sadd.s32 $0x400, s6;
	_ =	swait.ge [sflag:s28], $0x4000  }
0x51: {  	s8 =	sshra.s32 s8, $0x2;
	[sflag:s28] =	ssyncset.done $0x0  }
0x52: {  	s9 =	sadd.s32 $0x2780, s8;
	[sflag:s28] =	ssyncadd.s32 $0xFFFFC000  }
0x53: {  	[spmem:s1] =	stream.indirect.scatter.add.f32 [tilespmem:s26], [sflag:$0x4], $0x80, s9, s23, $0xb8;
	[tilespmem:$0x1E080] =	vst v63  }
0x54: {  	_ =	swait.ge [sflag:s29], $0x4000  }
0x55: {  	[sflag:s29] =	ssyncset.done $0x0  }
0x56: {  	s9 =	sadd.s32 $0x1400, s8;
	[sflag:s29] =	ssyncadd.s32 $0xFFFFC000  }
0x57: {  	[tilespmem:s24], [sflag:$0x1] =	stream.indirect.gather [hbm4b:s4+s23], $0x80, s9, s23, $0xb8;
	[tilespmem:$0x1E080] =	vst v63  }
0x58: {  	_ =	swait.ge [sflag:s25], $0x4000  }
0x59: {  	[sflag:s25] =	ssyncset.done $0x0  }
.Ltmp0:
0x5a: {  	s9 =	sadd.s32 $0x2800, s8;
	[sflag:s25] =	ssyncadd.s32 $0xFFFFC000;
	(pc) =	sbr.rel @p5 .LBB2_2-.Ltmp0, $4  }
0x5b: {  	[spmem:s1] =	stream.indirect.scatter.add.f32 [tilespmem:s24], [sflag:$0x3], $0x80, s9, s23, $0xb8;
	[tilespmem:$0x1E080] =	vst v63  }
0x5c: {  	_ =	swait.ge [sflag:s30], $0x4000  }
0x5d: {  	[sflag:s30] =	ssyncset.done $0x0  }
0x5e: {  	s8 =	sadd.s32 $0x1480, s8;
	[sflag:s30] =	ssyncadd.s32 $0xFFFFC000  }
0x5f: {  	[tilespmem:s26], [sflag:$0x2] =	stream.indirect.gather [hbm4b:s4+s23], $0x80, s8, s23, $0xb8;
	[tilespmem:$0x1E080] =	vst v63  }
0x60: {  	_ =	swait.ge [sflag:s28], $0x4000  }
0x61: {  	[sflag:s28] =	ssyncset.done $0x0  }
0x62: {  	[sflag:s28] =	ssyncadd.s32 $0xFFFFC000  }
0x63: {  	[spmem:s1] =	stream.indirect.scatter.add.f32 [tilespmem:s26], [sflag:$0x4], $0x80, s31, s23, $0xb8;
	[tilespmem:$0x1E080] =	vst v63  }
0x64: {  	_ =	swait.ge [sflag:s29], $0x4000  }
0x65: {  	[sflag:s29] =	ssyncset.done $0x0  }
0x66: {  	[sflag:s29] =	ssyncadd.s32 $0xFFFFC000  }
0x67: {  	_ =	swait.ge [sflag:s30], $0x4000  }
0x68: {  	[sflag:s30] =	ssyncset.done $0x0  }
0x69: {  	[sflag:s30] =	ssyncadd.s32 $0xFFFFC000  }
0x6a: {  	[tilespmem:s3], [sflag:$0x5] =	stream.linear.gather [hbm4b:s13+s3], $0x1400, $0x38;
	[tilespmem:$0x1E080] =	vst v63  }
0x6b: {  	_ =	swait.ge [sflag:s21], $0x1400  }
0x6c: {  	[sflag:s21] =	ssyncset.done $0x0  }
0x6d: {  	[sflag:s21] =	ssyncadd.s32 $0xFFFFEC00  }
0x6e: {  	[tilespmem:s22], [sflag:$0x5] =	stream.linear.gather [hbm4b:s14+s3], $0x1400, $0x38;
	[tilespmem:$0x1E080] =	vst v63  }
0x6f: {  	_ =	swait.ge [sflag:s21], $0x1400  }
0x70: {  	[sflag:s21] =	ssyncset.done $0x0  }
0x71: {  	[sflag:s21] =	ssyncadd.s32 $0xFFFFEC00  }
0x72: {  	[tilespmem:s24], [sflag:$0x1] =	stream.indirect.gather [hbm4b:s4+s23], $0x80, s3, s23, $0xb8;
	[tilespmem:$0x1E080] =	vst v63  }
0x73: {  	_ =	swait.ge [sflag:s25], $0x4000  }
0x74: {  	[sflag:s25] =	ssyncset.done $0x0  }
0x75: {  	[sflag:s25] =	ssyncadd.s32 $0xFFFFC000  }
0x76: {  	[spmem:s1] =	stream.indirect.scatter.add.f32 [tilespmem:s24], [sflag:$0x3], $0x80, s22, s23, $0xb8;
	[tilespmem:$0x1E080] =	vst v63  }
0x77: {  	_ = 	snop  }
0x78: {  	[tilespmem:s26], [sflag:$0x2] =	stream.indirect.gather [hbm4b:s4+s23], $0x80, s23, s23, $0xb8;
	[tilespmem:$0x1E080] =	vst v63  }
0x79: {  	_ =	swait.ge [sflag:s28], $0x4000  }
0x7a: {  	[sflag:s28] =	ssyncset.done $0x0  }
0x7b: {  	s6 =	simm.s32 $0x1480;
	[sflag:s28] =	ssyncadd.s32 $0xFFFFC000  }
0x7c: {  	[spmem:s1] =	stream.indirect.scatter.add.f32 [tilespmem:s26], [sflag:$0x4], $0x80, s6, s23, $0xb8;
	[tilespmem:$0x1E080] =	vst v63  }
0x7d: {  	_ =	swait.ge [sflag:s29], $0x4000  }
0x7e: {  	[sflag:s29] =	ssyncset.done $0x0  }
0x7f: {  	s8 =	simm.s32 $0x100;
	[sflag:s29] =	ssyncadd.s32 $0xFFFFC000  }
0x80: {  	[tilespmem:s24], [sflag:$0x1] =	stream.indirect.gather [hbm4b:s4+s23], $0x80, s8, s23, $0xb8;
	[tilespmem:$0x1E080] =	vst v63  }
0x81: {  	_ =	swait.ge [sflag:s25], $0x4000  }
0x82: {  	[sflag:s25] =	ssyncset.done $0x0  }
0x83: {  	s9 =	simm.s32 $0x1500;
	[sflag:s25] =	ssyncadd.s32 $0xFFFFC000  }
0x84: {  	[spmem:s1] =	stream.indirect.scatter.add.f32 [tilespmem:s24], [sflag:$0x3], $0x80, s9, s23, $0xb8;
	[tilespmem:$0x1E080] =	vst v63  }
0x85: {  	_ =	swait.ge [sflag:s30], $0x4000  }
0x86: {  	[sflag:s30] =	ssyncset.done $0x0  }
0x87: {  	s6 =	simm.s32 $0xFFFFB800;
	s8 =	simm.s32 $0x180;
	[sflag:s30] =	ssyncadd.s32 $0xFFFFC000  }
.LBB2_4:
0x88: {  	[tilespmem:s26], [sflag:$0x2] =	stream.indirect.gather [hbm4b:s4+s23], $0x80, s8, s23, $0xb8;
	[tilespmem:$0x1E080] =	vst v63  }
0x89: {  	s8 =	smov.u32 s6  }
0x8a: {  	p5 =	sne.s32 s6, $0xFFFFFC00;
	s6 =	sadd.s32 $0x400, s6;
	_ =	swait.ge [sflag:s28], $0x4000  }
0x8b: {  	s8 =	sshra.s32 s8, $0x2;
	[sflag:s28] =	ssyncset.done $0x0  }
0x8c: {  	s9 =	sadd.s32 $0x2780, s8;
	[sflag:s28] =	ssyncadd.s32 $0xFFFFC000  }
0x8d: {  	[spmem:s1] =	stream.indirect.scatter.add.f32 [tilespmem:s26], [sflag:$0x4], $0x80, s9, s23, $0xb8;
	[tilespmem:$0x1E080] =	vst v63  }
0x8e: {  	_ =	swait.ge [sflag:s29], $0x4000  }
0x8f: {  	[sflag:s29] =	ssyncset.done $0x0  }
0x90: {  	s9 =	sadd.s32 $0x1400, s8;
	[sflag:s29] =	ssyncadd.s32 $0xFFFFC000  }
0x91: {  	[tilespmem:s24], [sflag:$0x1] =	stream.indirect.gather [hbm4b:s4+s23], $0x80, s9, s23, $0xb8;
	[tilespmem:$0x1E080] =	vst v63  }
0x92: {  	_ =	swait.ge [sflag:s25], $0x4000  }
0x93: {  	[sflag:s25] =	ssyncset.done $0x0  }
.Ltmp1:
0x94: {  	s9 =	sadd.s32 $0x2800, s8;
	[sflag:s25] =	ssyncadd.s32 $0xFFFFC000;
	(pc) =	sbr.rel @p5 .LBB2_4-.Ltmp1, $4  }
0x95: {  	[spmem:s1] =	stream.indirect.scatter.add.f32 [tilespmem:s24], [sflag:$0x3], $0x80, s9, s23, $0xb8;
	[tilespmem:$0x1E080] =	vst v63  }
0x96: {  	_ =	swait.ge [sflag:s30], $0x4000  }
0x97: {  	[sflag:s30] =	ssyncset.done $0x0  }
0x98: {  	s8 =	sadd.s32 $0x1480, s8;
	[sflag:s30] =	ssyncadd.s32 $0xFFFFC000  }
0x99: {  	[tilespmem:s26], [sflag:$0x2] =	stream.indirect.gather [hbm4b:s4+s23], $0x80, s8, s23, $0xb8;
	[tilespmem:$0x1E080] =	vst v63  }
0x9a: {  	_ =	swait.ge [sflag:s28], $0x4000  }
0x9b: {  	[sflag:s28] =	ssyncset.done $0x0  }
0x9c: {  	[sflag:s28] =	ssyncadd.s32 $0xFFFFC000  }
0x9d: {  	[spmem:s1] =	stream.indirect.scatter.add.f32 [tilespmem:s26], [sflag:$0x4], $0x80, s31, s23, $0xb8;
	[tilespmem:$0x1E080] =	vst v63  }
0x9e: {  	_ =	swait.ge [sflag:s29], $0x4000  }
0x9f: {  	[sflag:s29] =	ssyncset.done $0x0  }
0xa0: {  	[sflag:s29] =	ssyncadd.s32 $0xFFFFC000  }
0xa1: {  	_ =	swait.ge [sflag:s30], $0x4000  }
0xa2: {  	[sflag:s30] =	ssyncset.done $0x0  }
0xa3: {  	[sflag:s30] =	ssyncadd.s32 $0xFFFFC000  }
0xa4: {  	s6 =	sshrl.u32 @p4 s7, $0x3;
	s8 =	simm.s32 @p4 $0x1FC5;
	[bflag:$0x0] =	sbarrier.arrive $0xFFFF  }
0xa5: {  	[hbm:s16], [sflag:s8] =	dma.local @p4 [spmem:s6], $0x2800  }
0xa6: {  	s6 =	simm.s32 @p4 $0x5  }
0xa7: {  	s0 =	sadd.s32 $0x1, s0;
	_ =	swait.ge @p4 [sflag:s6], $0x2800  }
0xa8: {  	p5 =	sne.s32 s0, s17;
	s8 =	sshll.u32 @!p4 s2, $0x6;
	[sflag:s6] =	ssyncset.done @p4 $0x0  }
0xa9: {  	[sflag:s6] =	ssyncadd.s32 @p4 $0xFFFFD800;
	s6 =	sor.u32 @!p4 $0x1C05, s8;
	s8 =	sshrl.u32 @!p4 s5, $0x3  }
0xaa: {  	[hbm:s15], [sflag:s6] =	dma.local @!p4 [spmem:s8], $0x2700  }
.Ltmp2:
0xab: {  	_ = 	snop;
	(pc) =	sbr.rel @p5 .LBB2_1-.Ltmp2, $4  }
0xac: {  	s6 =	simm.s32 @!p4 $0x5  }
0xad: {  	_ =	swait.ge @!p4 [sflag:s6], $0x2700  }
0xae: {  	[sflag:s6] =	ssyncset.done @!p4 $0x0  }
0xaf: {  	[sflag:s6] =	ssyncadd.s32 @!p4 $0xFFFFD900  }
0xb0: {  	_ =	sfence.sel $0x180000  }
0xb1: {  	[bflag:$0x0] =	sbarrier.arrive $0xFFFF  }
0xb2: {  	_ =	strace $0x9000004A  }
0xb3: {  	[bflag:$0x2] =	sbarrier.arrive $0xFFFF  }
0xb4: {  	p0 =	sne.s32 s2, $0x0;
	s0 =	rddreg [dreg:$0x3]  }
0xb5: {  	s0 =	sadd.s32 @!p0 $0x100000, s0  }
0xb6: {  	[sflag:s0] =	ssyncadd.tile.s32 @!p0 $0x1;
	_ =	shalt  }
.Lfunc_end2:
_tile_overlayer_lowered:
.L_overlay_start_2:
0xb7: {  	(tag) =	ssettag $0x2  }
0xb8: {  	s0 =	rddreg [dreg:$0x0];
	s2 =	stileid.u32  }
0xb9: {  	s1 =	rddreg [dreg:$0x1];
	p0 =	sne.s32 s2, $0x0  }
0xba: {  	s3 =	rddreg [dreg:$0x2];
	[bflag:$0x3] =	sbarrier.arrive $0xFFFF;
	s2 =	simm.s32 @!p0 $0x1C05  }
0xbb: {  	[timem:s3], [sflag:s2] =	dma.local @!p0 [hbm:s0], s1  }
0xbc: {  	s0 =	simm.s32 @!p0 $0x5  }
0xbd: {  	_ =	swait.ge @!p0 [sflag:s0], s1  }
0xbe: {  	s1 =	ssub.s32 @!p0 $0x0, s1;
	[sflag:s0] =	ssyncset.done @!p0 $0x0  }
0xbf: {  	[sflag:s0] =	ssyncadd.s32 @!p0 s1  }
0xc0: {  	[bflag:$0x3] =	sbarrier.arrive $0xFFFF  }
0xc1: {  	_ =	shalt  }

</sc_bundles>
